<compile_context>
chip_gen: v7x
topology: tpu7x:2x2x1
jax: 0.10.2.dev20260603
libtpu: 0.0.44.dev20260713+nightly
codegen_flags: <defaults>
</compile_context>

<pallas_src>
import functools

import jax
import jax.numpy as jnp
from jax import lax
from jax.experimental import pallas as pl
from jax.experimental.pallas import tpu as pltpu
from jax.experimental.pallas import tpu_sc as plsc

NC = 2
NS = 16
NW = NC * NS
BLK = 128


def _deg_call(nfull, t8, n_pad):
  mesh = plsc.VectorSubcoreMesh(
      core_axis_name="c", subcore_axis_name="s", num_cores=NC,
      num_subcores=NS)
  rpt = n_pad // NS

  @functools.partial(
      pl.kernel,
      out_type=jax.ShapeDtypeStruct((NC, 2, n_pad), jnp.float32),
      mesh=mesh,
      scratch_types=[
          pltpu.VMEM((nfull, BLK), jnp.int32),
          pltpu.VMEM((nfull, BLK), jnp.int32),
          pltpu.VMEM((max(t8, 8),), jnp.int32),
          pltpu.VMEM((max(t8, 8),), jnp.int32),
          pltpu.VMEM((BLK,), jnp.float32),
          pltpu.VMEM_SHARED((n_pad,), jnp.float32),
          pltpu.VMEM_SHARED((n_pad,), jnp.float32),
          pltpu.SemaphoreType.DMA,
          pltpu.SemaphoreType.DMA,
      ],
  )
  def deg_k(src_hbm, dst_hbm, tsrc_hbm, tdst_hbm, zeros_hbm, out_hbm,
            sidx, didx, tsidx, tdidx, ones_v, deg_s, deg_d, sem_a, sem_b):
    c = lax.axis_index("c")
    s = lax.axis_index("s")
    wid = c * NS + s
    for i in range(BLK // 16):
      ones_v[pl.ds(16 * i, 16)] = jnp.ones((16,), jnp.float32)
    pltpu.sync_copy(zeros_hbm.at[pl.ds(s * rpt, rpt)],
                    deg_s.at[pl.ds(s * rpt, rpt)])
    pltpu.sync_copy(zeros_hbm.at[pl.ds(s * rpt, rpt)],
                    deg_d.at[pl.ds(s * rpt, rpt)])
    pltpu.sync_copy(src_hbm.at[wid], sidx)
    pltpu.sync_copy(dst_hbm.at[wid], didx)
    if t8:
      pltpu.sync_copy(tsrc_hbm.at[wid], tsidx)
      pltpu.sync_copy(tdst_hbm.at[wid], tdidx)
    plsc.subcore_barrier()

    def body(b, carry):
      ca = pltpu.async_copy(ones_v, deg_s.at[sidx.at[b]], sem_a, add=True)
      cb = pltpu.async_copy(ones_v, deg_d.at[didx.at[b]], sem_b, add=True)
      ca.wait()
      cb.wait()
      return carry

    lax.fori_loop(0, nfull, body, 0)
    if t8:
      ca = pltpu.async_copy(ones_v.at[pl.ds(0, t8)], deg_s.at[tsidx],
                            sem_a, add=True)
      cb = pltpu.async_copy(ones_v.at[pl.ds(0, t8)], deg_d.at[tdidx],
                            sem_b, add=True)
      ca.wait()
      cb.wait()
    plsc.subcore_barrier()
    pltpu.sync_copy(deg_s.at[pl.ds(s * rpt, rpt)],
                    out_hbm.at[c, 0, pl.ds(s * rpt, rpt)])
    pltpu.sync_copy(deg_d.at[pl.ds(s * rpt, rpt)],
                    out_hbm.at[c, 1, pl.ds(s * rpt, rpt)])

  return deg_k


def _agg_call(nfull, t8, n_pad, d):
  mesh = plsc.VectorSubcoreMesh(
      core_axis_name="c", subcore_axis_name="s", num_cores=NC,
      num_subcores=NS)
  rpt = n_pad // NS

  sb = 2
  for cand in range(2, 33, 2):
    if nfull % cand == 0:
      sb = cand
  pipelined = nfull % 2 == 0 and nfull > 0

  @functools.partial(
      pl.kernel,
      out_type=jax.ShapeDtypeStruct((NC, n_pad, d), jnp.float32),
      mesh=mesh,
      scratch_types=[
          pltpu.VMEM((sb if pipelined else max(nfull, 1), BLK), jnp.int32),
          pltpu.VMEM((sb if pipelined else max(nfull, 1), BLK), jnp.int32),
          pltpu.VMEM((max(t8, 8),), jnp.int32),
          pltpu.VMEM((max(t8, 8),), jnp.int32),
          pltpu.VMEM((BLK, d), jnp.float32),
          pltpu.VMEM((BLK, d), jnp.float32),
          pltpu.VMEM_SHARED((n_pad, d), jnp.float32),
          pltpu.SemaphoreType.DMA,
          pltpu.SemaphoreType.DMA,
          pltpu.SemaphoreType.DMA,
          pltpu.SemaphoreType.DMA,
      ],
  )
  def agg_k(x_hbm, src_hbm, dst_hbm, tsrc_hbm, tdst_hbm, z_hbm, out_hbm,
            sidx, didx, tsidx, tdidx, r0, r1, agg_sh, sg0, sg1, ss0, ss1):
    c = lax.axis_index("c")
    s = lax.axis_index("s")
    wid = c * NS + s
    for j in range(rpt // BLK):
      pltpu.sync_copy(z_hbm,
                      agg_sh.at[pl.ds((s * (rpt // BLK) + j) * BLK, BLK)])
    if t8:
      pltpu.sync_copy(tsrc_hbm.at[wid], tsidx)
      pltpu.sync_copy(tdst_hbm.at[wid], tdidx)
    plsc.subcore_barrier()

    if pipelined:
      def sb_body(g, carry):
        pltpu.sync_copy(src_hbm.at[wid, g], sidx)
        pltpu.sync_copy(dst_hbm.at[wid, g], didx)
        pltpu.async_copy(x_hbm.at[sidx.at[0]], r0, sg0)

        def body(k, c2):
          pltpu.make_async_copy(z_hbm, r0, sg0).wait()

          @pl.when(k > 0)
          def _():
            pltpu.make_async_copy(z_hbm, r1, ss1).wait()

          pltpu.async_copy(x_hbm.at[sidx.at[2 * k + 1]], r1, sg1)
          pltpu.async_copy(r0, agg_sh.at[didx.at[2 * k]], ss0, add=True)
          pltpu.make_async_copy(z_hbm, r1, sg1).wait()
          pltpu.make_async_copy(z_hbm, r0, ss0).wait()

          @pl.when(k < sb // 2 - 1)
          def _():
            pltpu.async_copy(x_hbm.at[sidx.at[2 * k + 2]], r0, sg0)

          pltpu.async_copy(r1, agg_sh.at[didx.at[2 * k + 1]], ss1,
                           add=True)
          return c2

        lax.fori_loop(0, sb // 2, body, 0)
        pltpu.make_async_copy(z_hbm, r1, ss1).wait()
        return carry

      lax.fori_loop(0, nfull // sb, sb_body, 0)
    elif nfull:
      pltpu.sync_copy(src_hbm.at[wid, 0], sidx)
      pltpu.sync_copy(dst_hbm.at[wid, 0], didx)

      def body(b, carry):
        pltpu.async_copy(x_hbm.at[sidx.at[b]], r0, sg0).wait()
        pltpu.sync_copy(r0, agg_sh.at[didx.at[b]], add=True)
        return carry

      lax.fori_loop(0, nfull, body, 0)
    if t8:
      pltpu.async_copy(x_hbm.at[tsidx], r0.at[pl.ds(0, t8)], sg0).wait()
      pltpu.sync_copy(r0.at[pl.ds(0, t8)], agg_sh.at[tdidx], add=True)
    plsc.subcore_barrier()
    pltpu.sync_copy(agg_sh.at[pl.ds(s * rpt, rpt)],
                    out_hbm.at[c, pl.ds(s * rpt, rpt)])

  return agg_k


def _xnorm_body(deg_ref, h_ref, x_ref):
  deg = deg_ref[0, 0] + deg_ref[1, 0]
  norm = lax.rsqrt(jnp.maximum(deg, 1.0))
  x_ref[...] = h_ref[...] * norm[:, None]


def _final_body(parts_ref, deg_ref, w_ref, b_ref, a_ref, hout_ref,
                alpha_ref):
  deg = deg_ref[0, 1] + deg_ref[1, 1]
  norm = lax.rsqrt(jnp.maximum(deg, 1.0))
  agg = (parts_ref[0] + parts_ref[1]) * norm[:, None]
  out = jnp.dot(agg, w_ref[...], preferred_element_type=jnp.float32,
                precision=lax.Precision.HIGHEST) + b_ref[...][None, :]
  t = jnp.sum(out * a_ref[...][:, 0][None, :], axis=1, keepdims=True)
  alpha = jax.nn.sigmoid(t)
  hout_ref[...] = out * alpha
  alpha_ref[...] = alpha


def kernel(h, edge_index, W, b, a):
  n, d_in = h.shape
  d_out = W.shape[1]
  e = edge_index.shape[1]
  n_pad = -(-(n + 1) // (NS * BLK)) * (NS * BLK)

  ept = -(-e // NW)
  nfull = ept // BLK
  t = ept - nfull * BLK
  t8 = -(-t // 8) * 8
  cap = nfull * BLK + t8
  fill = NW * cap - e

  spare = jnp.arange(fill, dtype=jnp.int32) % (n_pad - n - 1)
  src_f = jnp.concatenate([edge_index[0], jnp.full((fill,), n, jnp.int32)])
  dst_f = jnp.concatenate([edge_index[1], n + 1 + spare])
  src_f = src_f.reshape(NW, cap)
  dst_f = dst_f.reshape(NW, cap)
  sbg = 2
  for _cand in range(2, 33, 2):
    if nfull % _cand == 0:
      sbg = _cand
  if nfull % 2 or nfull == 0:
    sbg = max(nfull, 1)
  src_m3 = src_f[:, :nfull * BLK].reshape(NW, nfull, BLK)
  dst_m3 = dst_f[:, :nfull * BLK].reshape(NW, nfull, BLK)
  src_m = src_m3.reshape(NW, max(nfull, 1) // sbg, sbg, BLK)
  dst_m = dst_m3.reshape(NW, max(nfull, 1) // sbg, sbg, BLK)
  if t8:
    src_t = src_f[:, nfull * BLK:]
    dst_t = dst_f[:, nfull * BLK:]
  else:
    src_t = jnp.zeros((NW, 8), jnp.int32)
    dst_t = jnp.full((NW, 8), n, jnp.int32)
  zdeg = jnp.zeros((n_pad,), jnp.float32)
  zrow = jnp.zeros((BLK, d_in), jnp.float32)

  deg_parts = _deg_call(nfull, t8, n_pad)(
      src_m3, dst_m3, src_t, dst_t, zdeg)

  grid = n_pad // 1024
  x = pl.pallas_call(
      _xnorm_body,
      grid=(grid,),
      in_specs=[
          pl.BlockSpec((NC, 2, 1024), lambda i: (0, 0, i)),
          pl.BlockSpec((1024, d_in), lambda i: (i, 0)),
      ],
      out_specs=pl.BlockSpec((1024, d_in), lambda i: (i, 0)),
      out_shape=jax.ShapeDtypeStruct((n_pad, d_in), jnp.float32),
  )(deg_parts, h)

  parts = _agg_call(nfull, t8, n_pad, d_in)(
      x, src_m, dst_m, src_t, dst_t, zrow)

  h_out, alpha = pl.pallas_call(
      _final_body,
      grid=(grid,),
      in_specs=[
          pl.BlockSpec((NC, 1024, d_in), lambda i: (0, i, 0)),
          pl.BlockSpec((NC, 2, 1024), lambda i: (0, 0, i)),
          pl.BlockSpec((d_in, d_out), lambda i: (0, 0)),
          pl.BlockSpec((d_out,), lambda i: (0,)),
          pl.BlockSpec((d_out, 1), lambda i: (0, 0)),
      ],
      out_specs=[
          pl.BlockSpec((1024, d_out), lambda i: (i, 0)),
          pl.BlockSpec((1024, 1), lambda i: (i, 0)),
      ],
      out_shape=[
          jax.ShapeDtypeStruct((n, d_out), jnp.float32),
          jax.ShapeDtypeStruct((n, 1), jnp.float32),
      ],
  )(parts, deg_parts, W, b, a)

  return (h_out, alpha)

# --- scband reference (transcript-rebuilt; emitter-appended) ---
"""Pipeline reference for scband-pathway-gnnlayer-37503654429371 (READ-ONLY COPY).

The authoritative reference and input builder live on the scoring server;
editing this copy changes nothing except your own understanding.
"""

import jax, jax.numpy as jnp
import numpy as np

N = 10000
E = 320000
D_IN = 128
D_OUT = 128

def setup_inputs(seed: int = 0):
    key = jax.random.key(seed)
    k1, k2, k3, k4 = jax.random.split(key, 4)
    h = jax.random.normal(k1, (N, D_IN), dtype=jnp.float32)
    edge_index = jax.random.randint(k2, (2, E), 0, N, dtype=jnp.int32)
    W = jax.random.normal(k3, (D_IN, D_OUT), dtype=jnp.float32) * (1.0 / np.sqrt(D_IN))
    b = jnp.zeros((D_OUT,), dtype=jnp.float32)
    a = jax.random.normal(k4, (D_OUT, 1), dtype=jnp.float32) * (1.0 / np.sqrt(D_OUT))
    return {"h": h, "edge_index": edge_index, "W": W, "b": b, "a": a}

def reference(h, edge_index, W, b, a):
    # DGL GraphConv(norm='both', allow_zero_in_degree=True): block is a full graph
    # with num_src = num_dst = N, represented as edge_index (src, dst).
    src = edge_index[0]
    dst = edge_index[1]
    ones = jnp.ones((src.shape[0],), dtype=h.dtype)
    out_deg = jax.ops.segment_sum(ones, src, num_segments=N)
    in_deg = jax.ops.segment_sum(ones, dst, num_segments=N)
    norm_src = jnp.power(jnp.clip(out_deg, 1.0, None), -0.5)
    norm_dst = jnp.power(jnp.clip(in_deg, 1.0, None), -0.5)
    # src-side normalization, gather messages, scatter-add to dst, dst-side normalization
    x = h * norm_src[:, None]
    msg = jnp.take(x, src, axis=0)
    agg = jax.ops.segment_sum(msg, dst, num_segments=N)
    agg = agg * norm_dst[:, None]
    out = agg @ W + b
    # h = h[:num_dst] is identity here since num_dst == N
    alpha = jax.nn.sigmoid(out @ a)
    h_out = out * alpha
    return (h_out, alpha)

if __name__ == "__main__":
    import jax
    _d = setup_inputs()
    print(jax.jit(kernel)(*tuple(_d.values())))

</pallas_src>

<mosaic_0001>
#map = affine_map<(d0, d1) -> (0, 0, 0)>
#map1 = affine_map<(d0, d1) -> (0, 0)>
#map2 = affine_map<(d0, d1) -> (0)>
module attributes {stable_mosaic.version = 14 : i64} {
  func.func @deg_k(%arg0: i32, %arg1: i32, %arg2: memref<32x78x128xi32, #tpu.memory_space<hbm>>, %arg3: memref<32x78x128xi32, #tpu.memory_space<hbm>>, %arg4: memref<32x16xi32, #tpu.memory_space<hbm>>, %arg5: memref<32x16xi32, #tpu.memory_space<hbm>>, %arg6: memref<10240xf32, #tpu.memory_space<hbm>>, %arg7: memref<2x2x10240xf32, #tpu.memory_space<hbm>>, %arg8: memref<78x128xi32, #tpu.memory_space<vmem>>, %arg9: memref<78x128xi32, #tpu.memory_space<vmem>>, %arg10: memref<16xi32, #tpu.memory_space<vmem>>, %arg11: memref<16xi32, #tpu.memory_space<vmem>>, %arg12: memref<128xf32, #tpu.memory_space<vmem>>, %arg13: memref<10240xf32, #tpu.memory_space<vmem_shared>>, %arg14: memref<10240xf32, #tpu.memory_space<vmem_shared>>, %arg15: memref<!tpu.dma_semaphore, #tpu.memory_space<semaphore_mem>>, %arg16: memref<!tpu.dma_semaphore, #tpu.memory_space<semaphore_mem>>) attributes {dimension_semantics = [#tpu.dimension_semantics<core_parallel>, #tpu.dimension_semantics<subcore_parallel>], iteration_bounds = array<i64: 2, 16>, scalar_prefetch = 0 : i64, scratch_operands = 9 : i64, tpu.core_type = #tpu.core_type<sc_vector_subcore>, window_params = [{transform_indices = #map}, {transform_indices = #map}, {transform_indices = #map1}, {transform_indices = #map1}, {transform_indices = #map2}, {transform_indices = #map}]} {
    %mul3A = arith.constant 16 : i32
    %mul3A_0 = arith.muli %arg0, %mul3A : i32
    %add3A = arith.addi %mul3A_0, %arg1 : i32
    %broadcast_in_dim3A = arith.constant 1.000000e+00 : f32
    %broadcast_in_dim3A_1 = vector.broadcast %broadcast_in_dim3A : f32 to vector<16xf32>
    %swap3A = arith.constant 0 : index
    %swap3A_2 = tpu.vector_load %arg12[%swap3A] {strides = array<i32>} : memref<128xf32, #tpu.memory_space<vmem>>, vector<16xf32>,
    %swap3A_3 = vector.shape_cast %swap3A_2 : vector<16xf32> to vector<16xf32>
    %swap3A_4 = vector.shape_cast %broadcast_in_dim3A_1 : vector<16xf32> to vector<16xf32>
    tpu.vector_store %arg12[%swap3A], %swap3A_4 {strides = array<i32>} : memref<128xf32, #tpu.memory_space<vmem>>, vector<16xf32>,
    %broadcast_in_dim3A_5 = arith.constant 1.000000e+00 : f32
    %broadcast_in_dim3A_6 = vector.broadcast %broadcast_in_dim3A_5 : f32 to vector<16xf32>
    %swap3A_7 = arith.constant 16 : index
    %swap3A_8 = tpu.vector_load %arg12[%swap3A_7] {strides = array<i32>} : memref<128xf32, #tpu.memory_space<vmem>>, vector<16xf32>,
    %swap3A_9 = vector.shape_cast %swap3A_8 : vector<16xf32> to vector<16xf32>
    %swap3A_10 = vector.shape_cast %broadcast_in_dim3A_6 : vector<16xf32> to vector<16xf32>
    tpu.vector_store %arg12[%swap3A_7], %swap3A_10 {strides = array<i32>} : memref<128xf32, #tpu.memory_space<vmem>>, vector<16xf32>,
    %broadcast_in_dim3A_11 = arith.constant 1.000000e+00 : f32
    %broadcast_in_dim3A_12 = vector.broadcast %broadcast_in_dim3A_11 : f32 to vector<16xf32>
    %swap3A_13 = arith.constant 32 : index
    %swap3A_14 = tpu.vector_load %arg12[%swap3A_13] {strides = array<i32>} : memref<128xf32, #tpu.memory_space<vmem>>, vector<16xf32>,
    %swap3A_15 = vector.shape_cast %swap3A_14 : vector<16xf32> to vector<16xf32>
    %swap3A_16 = vector.shape_cast %broadcast_in_dim3A_12 : vector<16xf32> to vector<16xf32>
    tpu.vector_store %arg12[%swap3A_13], %swap3A_16 {strides = array<i32>} : memref<128xf32, #tpu.memory_space<vmem>>, vector<16xf32>,
    %broadcast_in_dim3A_17 = arith.constant 1.000000e+00 : f32
    %broadcast_in_dim3A_18 = vector.broadcast %broadcast_in_dim3A_17 : f32 to vector<16xf32>
    %swap3A_19 = arith.constant 48 : index
    %swap3A_20 = tpu.vector_load %arg12[%swap3A_19] {strides = array<i32>} : memref<128xf32, #tpu.memory_space<vmem>>, vector<16xf32>,
    %swap3A_21 = vector.shape_cast %swap3A_20 : vector<16xf32> to vector<16xf32>
    %swap3A_22 = vector.shape_cast %broadcast_in_dim3A_18 : vector<16xf32> to vector<16xf32>
    tpu.vector_store %arg12[%swap3A_19], %swap3A_22 {strides = array<i32>} : memref<128xf32, #tpu.memory_space<vmem>>, vector<16xf32>,
    %broadcast_in_dim3A_23 = arith.constant 1.000000e+00 : f32
    %broadcast_in_dim3A_24 = vector.broadcast %broadcast_in_dim3A_23 : f32 to vector<16xf32>
    %swap3A_25 = arith.constant 64 : index
    %swap3A_26 = tpu.vector_load %arg12[%swap3A_25] {strides = array<i32>} : memref<128xf32, #tpu.memory_space<vmem>>, vector<16xf32>,
    %swap3A_27 = vector.shape_cast %swap3A_26 : vector<16xf32> to vector<16xf32>
    %swap3A_28 = vector.shape_cast %broadcast_in_dim3A_24 : vector<16xf32> to vector<16xf32>
    tpu.vector_store %arg12[%swap3A_25], %swap3A_28 {strides = array<i32>} : memref<128xf32, #tpu.memory_space<vmem>>, vector<16xf32>,
    %broadcast_in_dim3A_29 = arith.constant 1.000000e+00 : f32
    %broadcast_in_dim3A_30 = vector.broadcast %broadcast_in_dim3A_29 : f32 to vector<16xf32>
    %swap3A_31 = arith.constant 80 : index
    %swap3A_32 = tpu.vector_load %arg12[%swap3A_31] {strides = array<i32>} : memref<128xf32, #tpu.memory_space<vmem>>, vector<16xf32>,
    %swap3A_33 = vector.shape_cast %swap3A_32 : vector<16xf32> to vector<16xf32>
    %swap3A_34 = vector.shape_cast %broadcast_in_dim3A_30 : vector<16xf32> to vector<16xf32>
    tpu.vector_store %arg12[%swap3A_31], %swap3A_34 {strides = array<i32>} : memref<128xf32, #tpu.memory_space<vmem>>, vector<16xf32>,
    %broadcast_in_dim3A_35 = arith.constant 1.000000e+00 : f32
    %broadcast_in_dim3A_36 = vector.broadcast %broadcast_in_dim3A_35 : f32 to vector<16xf32>
    %swap3A_37 = arith.constant 96 : index
    %swap3A_38 = tpu.vector_load %arg12[%swap3A_37] {strides = array<i32>} : memref<128xf32, #tpu.memory_space<vmem>>, vector<16xf32>,
    %swap3A_39 = vector.shape_cast %swap3A_38 : vector<16xf32> to vector<16xf32>
    %swap3A_40 = vector.shape_cast %broadcast_in_dim3A_36 : vector<16xf32> to vector<16xf32>
    tpu.vector_store %arg12[%swap3A_37], %swap3A_40 {strides = array<i32>} : memref<128xf32, #tpu.memory_space<vmem>>, vector<16xf32>,
    %broadcast_in_dim3A_41 = arith.constant 1.000000e+00 : f32
    %broadcast_in_dim3A_42 = vector.broadcast %broadcast_in_dim3A_41 : f32 to vector<16xf32>
    %swap3A_43 = arith.constant 112 : index
    %swap3A_44 = tpu.vector_load %arg12[%swap3A_43] {strides = array<i32>} : memref<128xf32, #tpu.memory_space<vmem>>, vector<16xf32>,
    %swap3A_45 = vector.shape_cast %swap3A_44 : vector<16xf32> to vector<16xf32>
    %swap3A_46 = vector.shape_cast %broadcast_in_dim3A_42 : vector<16xf32> to vector<16xf32>
    tpu.vector_store %arg12[%swap3A_43], %swap3A_46 {strides = array<i32>} : memref<128xf32, #tpu.memory_space<vmem>>, vector<16xf32>,
    %mul3A_47 = arith.constant 640 : i32
    %mul3A_48 = arith.muli %arg1, %mul3A_47 : i32
    %mul3A_49 = arith.constant 640 : i32
    %mul3A_50 = arith.muli %arg1, %mul3A_49 : i32
    "tpu.region"() ({
      %run_scoped3A_84 = tpu.sem_alloc : memref<!tpu.dma_semaphore, #tpu.memory_space<semaphore_mem>>
      %dma_start3A_85 = tpu.memref_slice %arg13[%mul3A_50] : memref<10240xf32, #tpu.memory_space<vmem_shared>> -> memref<640xf32, #tpu.memory_space<vmem_shared>>
      %dma_start3A_86 = tpu.memref_slice %arg6[%mul3A_48] : memref<10240xf32, #tpu.memory_space<hbm>> -> memref<640xf32, #tpu.memory_space<hbm>>
      tpu.enqueue_dma source(%dma_start3A_86 : memref<640xf32, #tpu.memory_space<hbm>>) target(%dma_start3A_85 : memref<640xf32, #tpu.memory_space<vmem_shared>>) target_semaphore(%run_scoped3A_84 : memref<!tpu.dma_semaphore, #tpu.memory_space<semaphore_mem>>)
      %dma_wait3A_87 = tpu.memref_slice %arg13[%mul3A_50] : memref<10240xf32, #tpu.memory_space<vmem_shared>> -> memref<640xf32, #tpu.memory_space<vmem_shared>>
      %dma_wait3A_88 = tpu.memref_slice %arg6[%mul3A_48] : memref<10240xf32, #tpu.memory_space<hbm>> -> memref<640xf32, #tpu.memory_space<hbm>>
      tpu.wait_dma2 semaphore(%run_scoped3A_84 : memref<!tpu.dma_semaphore, #tpu.memory_space<semaphore_mem>>) src(%dma_wait3A_88 : memref<640xf32, #tpu.memory_space<hbm>>) dst(%dma_wait3A_87 : memref<640xf32, #tpu.memory_space<vmem_shared>>)
      tpu.yield
    }) : () -> ()
    %mul3A_51 = arith.constant 640 : i32
    %mul3A_52 = arith.muli %arg1, %mul3A_51 : i32
    %mul3A_53 = arith.constant 640 : i32
    %mul3A_54 = arith.muli %arg1, %mul3A_53 : i32
    "tpu.region"() ({
      %run_scoped3A_84 = tpu.sem_alloc : memref<!tpu.dma_semaphore, #tpu.memory_space<semaphore_mem>>
      %dma_start3A_85 = tpu.memref_slice %arg14[%mul3A_54] : memref<10240xf32, #tpu.memory_space<vmem_shared>> -> memref<640xf32, #tpu.memory_space<vmem_shared>>
      %dma_start3A_86 = tpu.memref_slice %arg6[%mul3A_52] : memref<10240xf32, #tpu.memory_space<hbm>> -> memref<640xf32, #tpu.memory_space<hbm>>
      tpu.enqueue_dma source(%dma_start3A_86 : memref<640xf32, #tpu.memory_space<hbm>>) target(%dma_start3A_85 : memref<640xf32, #tpu.memory_space<vmem_shared>>) target_semaphore(%run_scoped3A_84 : memref<!tpu.dma_semaphore, #tpu.memory_space<semaphore_mem>>)
      %dma_wait3A_87 = tpu.memref_slice %arg14[%mul3A_54] : memref<10240xf32, #tpu.memory_space<vmem_shared>> -> memref<640xf32, #tpu.memory_space<vmem_shared>>
      %dma_wait3A_88 = tpu.memref_slice %arg6[%mul3A_52] : memref<10240xf32, #tpu.memory_space<hbm>> -> memref<640xf32, #tpu.memory_space<hbm>>
      tpu.wait_dma2 semaphore(%run_scoped3A_84 : memref<!tpu.dma_semaphore, #tpu.memory_space<semaphore_mem>>) src(%dma_wait3A_88 : memref<640xf32, #tpu.memory_space<hbm>>) dst(%dma_wait3A_87 : memref<640xf32, #tpu.memory_space<vmem_shared>>)
      tpu.yield
    }) : () -> ()
    "tpu.region"() ({
      %run_scoped3A_84 = tpu.sem_alloc : memref<!tpu.dma_semaphore, #tpu.memory_space<semaphore_mem>>
      %dma_start3A_85 = arith.constant 0 : i32
      %dma_start3A_86 = arith.constant 0 : i32
      %dma_start3A_87 = tpu.memref_slice %arg2[%add3A, %dma_start3A_85, %dma_start3A_86] : memref<32x78x128xi32, #tpu.memory_space<hbm>> -> memref<1x78x128xi32, #tpu.memory_space<hbm>>
      %dma_start3A_88 = tpu.memref_squeeze %dma_start3A_87 : memref<1x78x128xi32, #tpu.memory_space<hbm>> -> memref<78x128xi32, #tpu.memory_space<hbm>>
      %dma_start3A_89 = arith.constant 0 : i32
      %dma_start3A_90 = arith.constant 0 : i32
      %dma_start3A_91 = tpu.memref_slice %arg2[%add3A, %dma_start3A_89, %dma_start3A_90] : memref<32x78x128xi32, #tpu.memory_space<hbm>> -> memref<1x78x128xi32, #tpu.memory_space<hbm>>
      %dma_start3A_92 = tpu.memref_squeeze %dma_start3A_91 : memref<1x78x128xi32, #tpu.memory_space<hbm>> -> memref<78x128xi32, #tpu.memory_space<hbm>>
      tpu.enqueue_dma source(%dma_start3A_92 : memref<78x128xi32, #tpu.memory_space<hbm>>) target(%arg8 : memref<78x128xi32, #tpu.memory_space<vmem>>) target_semaphore(%run_scoped3A_84 : memref<!tpu.dma_semaphore, #tpu.memory_space<semaphore_mem>>)
      %dma_wait3A_93 = arith.constant 0 : i32
      %dma_wait3A_94 = arith.constant 0 : i32
      %dma_wait3A_95 = tpu.memref_slice %arg2[%add3A, %dma_wait3A_93, %dma_wait3A_94] : memref<32x78x128xi32, #tpu.memory_space<hbm>> -> memref<1x78x128xi32, #tpu.memory_space<hbm>>
      %dma_wait3A_96 = tpu.memref_squeeze %dma_wait3A_95 : memref<1x78x128xi32, #tpu.memory_space<hbm>> -> memref<78x128xi32, #tpu.memory_space<hbm>>
      %dma_wait3A_97 = arith.constant 0 : i32
      %dma_wait3A_98 = arith.constant 0 : i32
      %dma_wait3A_99 = tpu.memref_slice %arg2[%add3A, %dma_wait3A_97, %dma_wait3A_98] : memref<32x78x128xi32, #tpu.memory_space<hbm>> -> memref<1x78x128xi32, #tpu.memory_space<hbm>>
      %dma_wait3A_100 = tpu.memref_squeeze %dma_wait3A_99 : memref<1x78x128xi32, #tpu.memory_space<hbm>> -> memref<78x128xi32, #tpu.memory_space<hbm>>
      tpu.wait_dma2 semaphore(%run_scoped3A_84 : memref<!tpu.dma_semaphore, #tpu.memory_space<semaphore_mem>>) src(%dma_wait3A_100 : memref<78x128xi32, #tpu.memory_space<hbm>>) dst(%arg8 : memref<78x128xi32, #tpu.memory_space<vmem>>)
      tpu.yield
    }) : () -> ()
    "tpu.region"() ({
      %run_scoped3A_84 = tpu.sem_alloc : memref<!tpu.dma_semaphore, #tpu.memory_space<semaphore_mem>>
      %dma_start3A_85 = arith.constant 0 : i32
      %dma_start3A_86 = arith.constant 0 : i32
      %dma_start3A_87 = tpu.memref_slice %arg3[%add3A, %dma_start3A_85, %dma_start3A_86] : memref<32x78x128xi32, #tpu.memory_space<hbm>> -> memref<1x78x128xi32, #tpu.memory_space<hbm>>
      %dma_start3A_88 = tpu.memref_squeeze %dma_start3A_87 : memref<1x78x128xi32, #tpu.memory_space<hbm>> -> memref<78x128xi32, #tpu.memory_space<hbm>>
      %dma_start3A_89 = arith.constant 0 : i32
      %dma_start3A_90 = arith.constant 0 : i32
      %dma_start3A_91 = tpu.memref_slice %arg3[%add3A, %dma_start3A_89, %dma_start3A_90] : memref<32x78x128xi32, #tpu.memory_space<hbm>> -> memref<1x78x128xi32, #tpu.memory_space<hbm>>
      %dma_start3A_92 = tpu.memref_squeeze %dma_start3A_91 : memref<1x78x128xi32, #tpu.memory_space<hbm>> -> memref<78x128xi32, #tpu.memory_space<hbm>>
      tpu.enqueue_dma source(%dma_start3A_92 : memref<78x128xi32, #tpu.memory_space<hbm>>) target(%arg9 : memref<78x128xi32, #tpu.memory_space<vmem>>) target_semaphore(%run_scoped3A_84 : memref<!tpu.dma_semaphore, #tpu.memory_space<semaphore_mem>>)
      %dma_wait3A_93 = arith.constant 0 : i32
      %dma_wait3A_94 = arith.constant 0 : i32
      %dma_wait3A_95 = tpu.memref_slice %arg3[%add3A, %dma_wait3A_93, %dma_wait3A_94] : memref<32x78x128xi32, #tpu.memory_space<hbm>> -> memref<1x78x128xi32, #tpu.memory_space<hbm>>
      %dma_wait3A_96 = tpu.memref_squeeze %dma_wait3A_95 : memref<1x78x128xi32, #tpu.memory_space<hbm>> -> memref<78x128xi32, #tpu.memory_space<hbm>>
      %dma_wait3A_97 = arith.constant 0 : i32
      %dma_wait3A_98 = arith.constant 0 : i32
      %dma_wait3A_99 = tpu.memref_slice %arg3[%add3A, %dma_wait3A_97, %dma_wait3A_98] : memref<32x78x128xi32, #tpu.memory_space<hbm>> -> memref<1x78x128xi32, #tpu.memory_space<hbm>>
      %dma_wait3A_100 = tpu.memref_squeeze %dma_wait3A_99 : memref<1x78x128xi32, #tpu.memory_space<hbm>> -> memref<78x128xi32, #tpu.memory_space<hbm>>
      tpu.wait_dma2 semaphore(%run_scoped3A_84 : memref<!tpu.dma_semaphore, #tpu.memory_space<semaphore_mem>>) src(%dma_wait3A_100 : memref<78x128xi32, #tpu.memory_space<hbm>>) dst(%arg9 : memref<78x128xi32, #tpu.memory_space<vmem>>)
      tpu.yield
    }) : () -> ()
    "tpu.region"() ({
      %run_scoped3A_84 = tpu.sem_alloc : memref<!tpu.dma_semaphore, #tpu.memory_space<semaphore_mem>>
      %dma_start3A_85 = arith.constant 0 : i32
      %dma_start3A_86 = tpu.memref_slice %arg4[%add3A, %dma_start3A_85] : memref<32x16xi32, #tpu.memory_space<hbm>> -> memref<1x16xi32, #tpu.memory_space<hbm>>
      %dma_start3A_87 = tpu.memref_squeeze %dma_start3A_86 : memref<1x16xi32, #tpu.memory_space<hbm>> -> memref<16xi32, #tpu.memory_space<hbm>>
      %dma_start3A_88 = arith.constant 0 : i32
      %dma_start3A_89 = tpu.memref_slice %arg4[%add3A, %dma_start3A_88] : memref<32x16xi32, #tpu.memory_space<hbm>> -> memref<1x16xi32, #tpu.memory_space<hbm>>
      %dma_start3A_90 = tpu.memref_squeeze %dma_start3A_89 : memref<1x16xi32, #tpu.memory_space<hbm>> -> memref<16xi32, #tpu.memory_space<hbm>>
      tpu.enqueue_dma source(%dma_start3A_90 : memref<16xi32, #tpu.memory_space<hbm>>) target(%arg10 : memref<16xi32, #tpu.memory_space<vmem>>) target_semaphore(%run_scoped3A_84 : memref<!tpu.dma_semaphore, #tpu.memory_space<semaphore_mem>>)
      %dma_wait3A_91 = arith.constant 0 : i32
      %dma_wait3A_92 = tpu.memref_slice %arg4[%add3A, %dma_wait3A_91] : memref<32x16xi32, #tpu.memory_space<hbm>> -> memref<1x16xi32, #tpu.memory_space<hbm>>
      %dma_wait3A_93 = tpu.memref_squeeze %dma_wait3A_92 : memref<1x16xi32, #tpu.memory_space<hbm>> -> memref<16xi32, #tpu.memory_space<hbm>>
      %dma_wait3A_94 = arith.constant 0 : i32
      %dma_wait3A_95 = tpu.memref_slice %arg4[%add3A, %dma_wait3A_94] : memref<32x16xi32, #tpu.memory_space<hbm>> -> memref<1x16xi32, #tpu.memory_space<hbm>>
      %dma_wait3A_96 = tpu.memref_squeeze %dma_wait3A_95 : memref<1x16xi32, #tpu.memory_space<hbm>> -> memref<16xi32, #tpu.memory_space<hbm>>
      tpu.wait_dma2 semaphore(%run_scoped3A_84 : memref<!tpu.dma_semaphore, #tpu.memory_space<semaphore_mem>>) src(%dma_wait3A_96 : memref<16xi32, #tpu.memory_space<hbm>>) dst(%arg10 : memref<16xi32, #tpu.memory_space<vmem>>)
      tpu.yield
    }) : () -> ()
    "tpu.region"() ({
      %run_scoped3A_84 = tpu.sem_alloc : memref<!tpu.dma_semaphore, #tpu.memory_space<semaphore_mem>>
      %dma_start3A_85 = arith.constant 0 : i32
      %dma_start3A_86 = tpu.memref_slice %arg5[%add3A, %dma_start3A_85] : memref<32x16xi32, #tpu.memory_space<hbm>> -> memref<1x16xi32, #tpu.memory_space<hbm>>
      %dma_start3A_87 = tpu.memref_squeeze %dma_start3A_86 : memref<1x16xi32, #tpu.memory_space<hbm>> -> memref<16xi32, #tpu.memory_space<hbm>>
      %dma_start3A_88 = arith.constant 0 : i32
      %dma_start3A_89 = tpu.memref_slice %arg5[%add3A, %dma_start3A_88] : memref<32x16xi32, #tpu.memory_space<hbm>> -> memref<1x16xi32, #tpu.memory_space<hbm>>
      %dma_start3A_90 = tpu.memref_squeeze %dma_start3A_89 : memref<1x16xi32, #tpu.memory_space<hbm>> -> memref<16xi32, #tpu.memory_space<hbm>>
      tpu.enqueue_dma source(%dma_start3A_90 : memref<16xi32, #tpu.memory_space<hbm>>) target(%arg11 : memref<16xi32, #tpu.memory_space<vmem>>) target_semaphore(%run_scoped3A_84 : memref<!tpu.dma_semaphore, #tpu.memory_space<semaphore_mem>>)
      %dma_wait3A_91 = arith.constant 0 : i32
      %dma_wait3A_92 = tpu.memref_slice %arg5[%add3A, %dma_wait3A_91] : memref<32x16xi32, #tpu.memory_space<hbm>> -> memref<1x16xi32, #tpu.memory_space<hbm>>
      %dma_wait3A_93 = tpu.memref_squeeze %dma_wait3A_92 : memref<1x16xi32, #tpu.memory_space<hbm>> -> memref<16xi32, #tpu.memory_space<hbm>>
      %dma_wait3A_94 = arith.constant 0 : i32
      %dma_wait3A_95 = tpu.memref_slice %arg5[%add3A, %dma_wait3A_94] : memref<32x16xi32, #tpu.memory_space<hbm>> -> memref<1x16xi32, #tpu.memory_space<hbm>>
      %dma_wait3A_96 = tpu.memref_squeeze %dma_wait3A_95 : memref<1x16xi32, #tpu.memory_space<hbm>> -> memref<16xi32, #tpu.memory_space<hbm>>
      tpu.wait_dma2 semaphore(%run_scoped3A_84 : memref<!tpu.dma_semaphore, #tpu.memory_space<semaphore_mem>>) src(%dma_wait3A_96 : memref<16xi32, #tpu.memory_space<hbm>>) dst(%arg11 : memref<16xi32, #tpu.memory_space<vmem>>)
      tpu.yield
    }) : () -> ()
    %barrier3A = arith.constant 0 : index
    tpu.barrier barrier_id(%barrier3A)
    %scan3A = arith.constant 0 : i32
    %scan3A_55 = arith.constant 0 : i32
    %scan3A_56 = arith.constant 78 : i32
    %scan3A_57 = arith.addi %scan3A_55, %scan3A_56 : i32
    %scan3A_58 = arith.constant 1 : i32
    scf.for %scan3A_84 = %scan3A_55 to %scan3A_57 step %scan3A_58  : i32 {
      %dma_start3A_85 = arith.constant 0 : i32
      %dma_start3A_86 = tpu.memref_slice %arg8[%scan3A_84, %dma_start3A_85] : memref<78x128xi32, #tpu.memory_space<vmem>> -> memref<1x128xi32, #tpu.memory_space<vmem>>
      %dma_start3A_87 = tpu.memref_squeeze %dma_start3A_86 : memref<1x128xi32, #tpu.memory_space<vmem>> -> memref<128xi32, #tpu.memory_space<vmem>>
      %dma_start3A_88 = arith.constant 0 : i32
      %dma_start3A_89 = tpu.memref_slice %arg13[%dma_start3A_88] : memref<10240xf32, #tpu.memory_space<vmem_shared>> -> memref<10240xf32, #tpu.memory_space<vmem_shared>>
      tpu.enqueue_indirect_dma source(%arg12 : memref<128xf32, #tpu.memory_space<vmem>>) target(%dma_start3A_89 : memref<10240xf32, #tpu.memory_space<vmem_shared>>) offsets(%dma_start3A_87 : memref<128xi32, #tpu.memory_space<vmem>>) semaphore(%arg15 : memref<!tpu.dma_semaphore, #tpu.memory_space<semaphore_mem>>) {add = true}
      %dma_start3A_90 = arith.constant 0 : i32
      %dma_start3A_91 = tpu.memref_slice %arg9[%scan3A_84, %dma_start3A_90] : memref<78x128xi32, #tpu.memory_space<vmem>> -> memref<1x128xi32, #tpu.memory_space<vmem>>
      %dma_start3A_92 = tpu.memref_squeeze %dma_start3A_91 : memref<1x128xi32, #tpu.memory_space<vmem>> -> memref<128xi32, #tpu.memory_space<vmem>>
      %dma_start3A_93 = arith.constant 0 : i32
      %dma_start3A_94 = tpu.memref_slice %arg14[%dma_start3A_93] : memref<10240xf32, #tpu.memory_space<vmem_shared>> -> memref<10240xf32, #tpu.memory_space<vmem_shared>>
      tpu.enqueue_indirect_dma source(%arg12 : memref<128xf32, #tpu.memory_space<vmem>>) target(%dma_start3A_94 : memref<10240xf32, #tpu.memory_space<vmem_shared>>) offsets(%dma_start3A_92 : memref<128xi32, #tpu.memory_space<vmem>>) semaphore(%arg16 : memref<!tpu.dma_semaphore, #tpu.memory_space<semaphore_mem>>) {add = true}
      %dma_wait3A_95 = arith.constant 0 : i32
      %dma_wait3A_96 = tpu.memref_slice %arg8[%scan3A_84, %dma_wait3A_95] : memref<78x128xi32, #tpu.memory_space<vmem>> -> memref<1x128xi32, #tpu.memory_space<vmem>>
      %dma_wait3A_97 = tpu.memref_squeeze %dma_wait3A_96 : memref<1x128xi32, #tpu.memory_space<vmem>> -> memref<128xi32, #tpu.memory_space<vmem>>
      %dma_wait3A_98 = arith.constant 0 : i32
      %dma_wait3A_99 = tpu.memref_slice %arg13[%dma_wait3A_98] : memref<10240xf32, #tpu.memory_space<vmem_shared>> -> memref<10240xf32, #tpu.memory_space<vmem_shared>>
      tpu.wait_indirect_dma semaphore(%arg15 : memref<!tpu.dma_semaphore, #tpu.memory_space<semaphore_mem>>) src(%arg12 : memref<128xf32, #tpu.memory_space<vmem>>) dst(%dma_wait3A_99 : memref<10240xf32, #tpu.memory_space<vmem_shared>>)
      %dma_wait3A_100 = arith.constant 0 : i32
      %dma_wait3A_101 = tpu.memref_slice %arg9[%scan3A_84, %dma_wait3A_100] : memref<78x128xi32, #tpu.memory_space<vmem>> -> memref<1x128xi32, #tpu.memory_space<vmem>>
      %dma_wait3A_102 = tpu.memref_squeeze %dma_wait3A_101 : memref<1x128xi32, #tpu.memory_space<vmem>> -> memref<128xi32, #tpu.memory_space<vmem>>
      %dma_wait3A_103 = arith.constant 0 : i32
      %dma_wait3A_104 = tpu.memref_slice %arg14[%dma_wait3A_103] : memref<10240xf32, #tpu.memory_space<vmem_shared>> -> memref<10240xf32, #tpu.memory_space<vmem_shared>>
      tpu.wait_indirect_dma semaphore(%arg16 : memref<!tpu.dma_semaphore, #tpu.memory_space<semaphore_mem>>) src(%arg12 : memref<128xf32, #tpu.memory_space<vmem>>) dst(%dma_wait3A_104 : memref<10240xf32, #tpu.memory_space<vmem_shared>>)
    }
    %scan3A_59 = arith.constant 78 : i32
    %dma_start3A = arith.constant 0 : i32
    %dma_start3A_60 = tpu.memref_slice %arg12[%dma_start3A] : memref<128xf32, #tpu.memory_space<vmem>> -> memref<16xf32, #tpu.memory_space<vmem>>
    %dma_start3A_61 = arith.constant 0 : i32
    %dma_start3A_62 = tpu.memref_slice %arg13[%dma_start3A_61] : memref<10240xf32, #tpu.memory_space<vmem_shared>> -> memref<10240xf32, #tpu.memory_space<vmem_shared>>
    tpu.enqueue_indirect_dma source(%dma_start3A_60 : memref<16xf32, #tpu.memory_space<vmem>>) target(%dma_start3A_62 : memref<10240xf32, #tpu.memory_space<vmem_shared>>) offsets(%arg10 : memref<16xi32, #tpu.memory_space<vmem>>) semaphore(%arg15 : memref<!tpu.dma_semaphore, #tpu.memory_space<semaphore_mem>>) {add = true}
    %dma_start3A_63 = arith.constant 0 : i32
    %dma_start3A_64 = tpu.memref_slice %arg12[%dma_start3A_63] : memref<128xf32, #tpu.memory_space<vmem>> -> memref<16xf32, #tpu.memory_space<vmem>>
    %dma_start3A_65 = arith.constant 0 : i32
    %dma_start3A_66 = tpu.memref_slice %arg14[%dma_start3A_65] : memref<10240xf32, #tpu.memory_space<vmem_shared>> -> memref<10240xf32, #tpu.memory_space<vmem_shared>>
    tpu.enqueue_indirect_dma source(%dma_start3A_64 : memref<16xf32, #tpu.memory_space<vmem>>) target(%dma_start3A_66 : memref<10240xf32, #tpu.memory_space<vmem_shared>>) offsets(%arg11 : memref<16xi32, #tpu.memory_space<vmem>>) semaphore(%arg16 : memref<!tpu.dma_semaphore, #tpu.memory_space<semaphore_mem>>) {add = true}
    %dma_wait3A = arith.constant 0 : i32
    %dma_wait3A_67 = tpu.memref_slice %arg12[%dma_wait3A] : memref<128xf32, #tpu.memory_space<vmem>> -> memref<16xf32, #tpu.memory_space<vmem>>
    %dma_wait3A_68 = arith.constant 0 : i32
    %dma_wait3A_69 = tpu.memref_slice %arg13[%dma_wait3A_68] : memref<10240xf32, #tpu.memory_space<vmem_shared>> -> memref<10240xf32, #tpu.memory_space<vmem_shared>>
    tpu.wait_indirect_dma semaphore(%arg15 : memref<!tpu.dma_semaphore, #tpu.memory_space<semaphore_mem>>) src(%dma_wait3A_67 : memref<16xf32, #tpu.memory_space<vmem>>) dst(%dma_wait3A_69 : memref<10240xf32, #tpu.memory_space<vmem_shared>>)
    %dma_wait3A_70 = arith.constant 0 : i32
    %dma_wait3A_71 = tpu.memref_slice %arg12[%dma_wait3A_70] : memref<128xf32, #tpu.memory_space<vmem>> -> memref<16xf32, #tpu.memory_space<vmem>>
    %dma_wait3A_72 = arith.constant 0 : i32
    %dma_wait3A_73 = tpu.memref_slice %arg14[%dma_wait3A_72] : memref<10240xf32, #tpu.memory_space<vmem_shared>> -> memref<10240xf32, #tpu.memory_space<vmem_shared>>
    tpu.wait_indirect_dma semaphore(%arg16 : memref<!tpu.dma_semaphore, #tpu.memory_space<semaphore_mem>>) src(%dma_wait3A_71 : memref<16xf32, #tpu.memory_space<vmem>>) dst(%dma_wait3A_73 : memref<10240xf32, #tpu.memory_space<vmem_shared>>)
    %barrier3A_74 = arith.constant 0 : index
    tpu.barrier barrier_id(%barrier3A_74)
    %mul3A_75 = arith.constant 640 : i32
    %mul3A_76 = arith.muli %arg1, %mul3A_75 : i32
    %mul3A_77 = arith.constant 640 : i32
    %mul3A_78 = arith.muli %arg1, %mul3A_77 : i32
    %run_scoped3A = arith.constant 0 : i32
    "tpu.region"() ({
      %run_scoped3A_84 = tpu.sem_alloc : memref<!tpu.dma_semaphore, #tpu.memory_space<semaphore_mem>>
      %dma_start3A_85 = tpu.memref_slice %arg7[%arg0, %run_scoped3A, %mul3A_78] : memref<2x2x10240xf32, #tpu.memory_space<hbm>> -> memref<1x1x640xf32, #tpu.memory_space<hbm>>
      %dma_start3A_86 = tpu.memref_squeeze %dma_start3A_85 : memref<1x1x640xf32, #tpu.memory_space<hbm>> -> memref<640xf32, #tpu.memory_space<hbm>>
      %dma_start3A_87 = tpu.memref_slice %arg13[%mul3A_76] : memref<10240xf32, #tpu.memory_space<vmem_shared>> -> memref<640xf32, #tpu.memory_space<vmem_shared>>
      tpu.enqueue_dma source(%dma_start3A_87 : memref<640xf32, #tpu.memory_space<vmem_shared>>) target(%dma_start3A_86 : memref<640xf32, #tpu.memory_space<hbm>>) target_semaphore(%run_scoped3A_84 : memref<!tpu.dma_semaphore, #tpu.memory_space<semaphore_mem>>)
      %dma_wait3A_88 = tpu.memref_slice %arg7[%arg0, %run_scoped3A, %mul3A_78] : memref<2x2x10240xf32, #tpu.memory_space<hbm>> -> memref<1x1x640xf32, #tpu.memory_space<hbm>>
      %dma_wait3A_89 = tpu.memref_squeeze %dma_wait3A_88 : memref<1x1x640xf32, #tpu.memory_space<hbm>> -> memref<640xf32, #tpu.memory_space<hbm>>
      %dma_wait3A_90 = tpu.memref_slice %arg13[%mul3A_76] : memref<10240xf32, #tpu.memory_space<vmem_shared>> -> memref<640xf32, #tpu.memory_space<vmem_shared>>
      tpu.wait_dma2 semaphore(%run_scoped3A_84 : memref<!tpu.dma_semaphore, #tpu.memory_space<semaphore_mem>>) src(%dma_wait3A_90 : memref<640xf32, #tpu.memory_space<vmem_shared>>) dst(%dma_wait3A_89 : memref<640xf32, #tpu.memory_space<hbm>>)
      tpu.yield
    }) : () -> ()
    %mul3A_79 = arith.constant 640 : i32
    %mul3A_80 = arith.muli %arg1, %mul3A_79 : i32
    %mul3A_81 = arith.constant 640 : i32
    %mul3A_82 = arith.muli %arg1, %mul3A_81 : i32
    %run_scoped3A_83 = arith.constant 1 : i32
    "tpu.region"() ({
      %run_scoped3A_84 = tpu.sem_alloc : memref<!tpu.dma_semaphore, #tpu.memory_space<semaphore_mem>>
      %dma_start3A_85 = tpu.memref_slice %arg7[%arg0, %run_scoped3A_83, %mul3A_82] : memref<2x2x10240xf32, #tpu.memory_space<hbm>> -> memref<1x1x640xf32, #tpu.memory_space<hbm>>
      %dma_start3A_86 = tpu.memref_squeeze %dma_start3A_85 : memref<1x1x640xf32, #tpu.memory_space<hbm>> -> memref<640xf32, #tpu.memory_space<hbm>>
      %dma_start3A_87 = tpu.memref_slice %arg14[%mul3A_80] : memref<10240xf32, #tpu.memory_space<vmem_shared>> -> memref<640xf32, #tpu.memory_space<vmem_shared>>
      tpu.enqueue_dma source(%dma_start3A_87 : memref<640xf32, #tpu.memory_space<vmem_shared>>) target(%dma_start3A_86 : memref<640xf32, #tpu.memory_space<hbm>>) target_semaphore(%run_scoped3A_84 : memref<!tpu.dma_semaphore, #tpu.memory_space<semaphore_mem>>)
      %dma_wait3A_88 = tpu.memref_slice %arg7[%arg0, %run_scoped3A_83, %mul3A_82] : memref<2x2x10240xf32, #tpu.memory_space<hbm>> -> memref<1x1x640xf32, #tpu.memory_space<hbm>>
      %dma_wait3A_89 = tpu.memref_squeeze %dma_wait3A_88 : memref<1x1x640xf32, #tpu.memory_space<hbm>> -> memref<640xf32, #tpu.memory_space<hbm>>
      %dma_wait3A_90 = tpu.memref_slice %arg14[%mul3A_80] : memref<10240xf32, #tpu.memory_space<vmem_shared>> -> memref<640xf32, #tpu.memory_space<vmem_shared>>
      tpu.wait_dma2 semaphore(%run_scoped3A_84 : memref<!tpu.dma_semaphore, #tpu.memory_space<semaphore_mem>>) src(%dma_wait3A_90 : memref<640xf32, #tpu.memory_space<vmem_shared>>) dst(%dma_wait3A_89 : memref<640xf32, #tpu.memory_space<hbm>>)
      tpu.yield
    }) : () -> ()
    return
  }
}

#map = affine_map<(d0, d1) -> (0, 0)>
#map1 = affine_map<(d0, d1) -> (0, 0, 0, 0)>
#map2 = affine_map<(d0, d1) -> (0, 0, 0)>
module attributes {stable_mosaic.version = 14 : i64} {
  func.func @agg_k(%arg0: i32, %arg1: i32, %arg2: memref<10240x128xf32, #tpu.memory_space<hbm>>, %arg3: memref<32x3x26x128xi32, #tpu.memory_space<hbm>>, %arg4: memref<32x3x26x128xi32, #tpu.memory_space<hbm>>, %arg5: memref<32x16xi32, #tpu.memory_space<hbm>>, %arg6: memref<32x16xi32, #tpu.memory_space<hbm>>, %arg7: memref<128x128xf32, #tpu.memory_space<hbm>>, %arg8: memref<2x10240x128xf32, #tpu.memory_space<hbm>>, %arg9: memref<26x128xi32, #tpu.memory_space<vmem>>, %arg10: memref<26x128xi32, #tpu.memory_space<vmem>>, %arg11: memref<16xi32, #tpu.memory_space<vmem>>, %arg12: memref<16xi32, #tpu.memory_space<vmem>>, %arg13: memref<128x128xf32, #tpu.memory_space<vmem>>, %arg14: memref<128x128xf32, #tpu.memory_space<vmem>>, %arg15: memref<10240x128xf32, #tpu.memory_space<vmem_shared>>, %arg16: memref<!tpu.dma_semaphore, #tpu.memory_space<semaphore_mem>>, %arg17: memref<!tpu.dma_semaphore, #tpu.memory_space<semaphore_mem>>, %arg18: memref<!tpu.dma_semaphore, #tpu.memory_space<semaphore_mem>>, %arg19: memref<!tpu.dma_semaphore, #tpu.memory_space<semaphore_mem>>) attributes {dimension_semantics = [#tpu.dimension_semantics<core_parallel>, #tpu.dimension_semantics<subcore_parallel>], iteration_bounds = array<i64: 2, 16>, scalar_prefetch = 0 : i64, scratch_operands = 11 : i64, tpu.core_type = #tpu.core_type<sc_vector_subcore>, window_params = [{transform_indices = #map}, {transform_indices = #map1}, {transform_indices = #map1}, {transform_indices = #map}, {transform_indices = #map}, {transform_indices = #map}, {transform_indices = #map2}]} {
    %mul3A = arith.constant 16 : i32
    %mul3A_0 = arith.muli %arg0, %mul3A : i32
    %add3A = arith.addi %mul3A_0, %arg1 : i32
    %mul3A_1 = arith.constant 5 : i32
    %mul3A_2 = arith.muli %arg1, %mul3A_1 : i32
    %add3A_3 = arith.constant 0 : i32
    %add3A_4 = arith.addi %mul3A_2, %add3A_3 : i32
    %mul3A_5 = arith.constant 128 : i32
    %mul3A_6 = arith.muli %add3A_4, %mul3A_5 : i32
    "tpu.region"() ({
      %run_scoped3A = tpu.sem_alloc : memref<!tpu.dma_semaphore, #tpu.memory_space<semaphore_mem>>
      %dma_start3A_51 = arith.constant 0 : i32
      %dma_start3A_52 = tpu.memref_slice %arg15[%mul3A_6, %dma_start3A_51] : memref<10240x128xf32, #tpu.memory_space<vmem_shared>> -> memref<128x128xf32, #tpu.memory_space<vmem_shared>>
      tpu.enqueue_dma source(%arg7 : memref<128x128xf32, #tpu.memory_space<hbm>>) target(%dma_start3A_52 : memref<128x128xf32, #tpu.memory_space<vmem_shared>>) target_semaphore(%run_scoped3A : memref<!tpu.dma_semaphore, #tpu.memory_space<semaphore_mem>>)
      %dma_wait3A_53 = arith.constant 0 : i32
      %dma_wait3A_54 = tpu.memref_slice %arg15[%mul3A_6, %dma_wait3A_53] : memref<10240x128xf32, #tpu.memory_space<vmem_shared>> -> memref<128x128xf32, #tpu.memory_space<vmem_shared>>
      tpu.wait_dma2 semaphore(%run_scoped3A : memref<!tpu.dma_semaphore, #tpu.memory_space<semaphore_mem>>) src(%arg7 : memref<128x128xf32, #tpu.memory_space<hbm>>) dst(%dma_wait3A_54 : memref<128x128xf32, #tpu.memory_space<vmem_shared>>)
      tpu.yield
    }) : () -> ()
    %mul3A_7 = arith.constant 5 : i32
    %mul3A_8 = arith.muli %arg1, %mul3A_7 : i32
    %add3A_9 = arith.constant 1 : i32
    %add3A_10 = arith.addi %mul3A_8, %add3A_9 : i32
    %mul3A_11 = arith.constant 128 : i32
    %mul3A_12 = arith.muli %add3A_10, %mul3A_11 : i32
    "tpu.region"() ({
      %run_scoped3A = tpu.sem_alloc : memref<!tpu.dma_semaphore, #tpu.memory_space<semaphore_mem>>
      %dma_start3A_51 = arith.constant 0 : i32
      %dma_start3A_52 = tpu.memref_slice %arg15[%mul3A_12, %dma_start3A_51] : memref<10240x128xf32, #tpu.memory_space<vmem_shared>> -> memref<128x128xf32, #tpu.memory_space<vmem_shared>>
      tpu.enqueue_dma source(%arg7 : memref<128x128xf32, #tpu.memory_space<hbm>>) target(%dma_start3A_52 : memref<128x128xf32, #tpu.memory_space<vmem_shared>>) target_semaphore(%run_scoped3A : memref<!tpu.dma_semaphore, #tpu.memory_space<semaphore_mem>>)
      %dma_wait3A_53 = arith.constant 0 : i32
      %dma_wait3A_54 = tpu.memref_slice %arg15[%mul3A_12, %dma_wait3A_53] : memref<10240x128xf32, #tpu.memory_space<vmem_shared>> -> memref<128x128xf32, #tpu.memory_space<vmem_shared>>
      tpu.wait_dma2 semaphore(%run_scoped3A : memref<!tpu.dma_semaphore, #tpu.memory_space<semaphore_mem>>) src(%arg7 : memref<128x128xf32, #tpu.memory_space<hbm>>) dst(%dma_wait3A_54 : memref<128x128xf32, #tpu.memory_space<vmem_shared>>)
      tpu.yield
    }) : () -> ()
    %mul3A_13 = arith.constant 5 : i32
    %mul3A_14 = arith.muli %arg1, %mul3A_13 : i32
    %add3A_15 = arith.constant 2 : i32
    %add3A_16 = arith.addi %mul3A_14, %add3A_15 : i32
    %mul3A_17 = arith.constant 128 : i32
    %mul3A_18 = arith.muli %add3A_16, %mul3A_17 : i32
    "tpu.region"() ({
      %run_scoped3A = tpu.sem_alloc : memref<!tpu.dma_semaphore, #tpu.memory_space<semaphore_mem>>
      %dma_start3A_51 = arith.constant 0 : i32
      %dma_start3A_52 = tpu.memref_slice %arg15[%mul3A_18, %dma_start3A_51] : memref<10240x128xf32, #tpu.memory_space<vmem_shared>> -> memref<128x128xf32, #tpu.memory_space<vmem_shared>>
      tpu.enqueue_dma source(%arg7 : memref<128x128xf32, #tpu.memory_space<hbm>>) target(%dma_start3A_52 : memref<128x128xf32, #tpu.memory_space<vmem_shared>>) target_semaphore(%run_scoped3A : memref<!tpu.dma_semaphore, #tpu.memory_space<semaphore_mem>>)
      %dma_wait3A_53 = arith.constant 0 : i32
      %dma_wait3A_54 = tpu.memref_slice %arg15[%mul3A_18, %dma_wait3A_53] : memref<10240x128xf32, #tpu.memory_space<vmem_shared>> -> memref<128x128xf32, #tpu.memory_space<vmem_shared>>
      tpu.wait_dma2 semaphore(%run_scoped3A : memref<!tpu.dma_semaphore, #tpu.memory_space<semaphore_mem>>) src(%arg7 : memref<128x128xf32, #tpu.memory_space<hbm>>) dst(%dma_wait3A_54 : memref<128x128xf32, #tpu.memory_space<vmem_shared>>)
      tpu.yield
    }) : () -> ()
    %mul3A_19 = arith.constant 5 : i32
    %mul3A_20 = arith.muli %arg1, %mul3A_19 : i32
    %add3A_21 = arith.constant 3 : i32
    %add3A_22 = arith.addi %mul3A_20, %add3A_21 : i32
    %mul3A_23 = arith.constant 128 : i32
    %mul3A_24 = arith.muli %add3A_22, %mul3A_23 : i32
    "tpu.region"() ({
      %run_scoped3A = tpu.sem_alloc : memref<!tpu.dma_semaphore, #tpu.memory_space<semaphore_mem>>
      %dma_start3A_51 = arith.constant 0 : i32
      %dma_start3A_52 = tpu.memref_slice %arg15[%mul3A_24, %dma_start3A_51] : memref<10240x128xf32, #tpu.memory_space<vmem_shared>> -> memref<128x128xf32, #tpu.memory_space<vmem_shared>>
      tpu.enqueue_dma source(%arg7 : memref<128x128xf32, #tpu.memory_space<hbm>>) target(%dma_start3A_52 : memref<128x128xf32, #tpu.memory_space<vmem_shared>>) target_semaphore(%run_scoped3A : memref<!tpu.dma_semaphore, #tpu.memory_space<semaphore_mem>>)
      %dma_wait3A_53 = arith.constant 0 : i32
      %dma_wait3A_54 = tpu.memref_slice %arg15[%mul3A_24, %dma_wait3A_53] : memref<10240x128xf32, #tpu.memory_space<vmem_shared>> -> memref<128x128xf32, #tpu.memory_space<vmem_shared>>
      tpu.wait_dma2 semaphore(%run_scoped3A : memref<!tpu.dma_semaphore, #tpu.memory_space<semaphore_mem>>) src(%arg7 : memref<128x128xf32, #tpu.memory_space<hbm>>) dst(%dma_wait3A_54 : memref<128x128xf32, #tpu.memory_space<vmem_shared>>)
      tpu.yield
    }) : () -> ()
    %mul3A_25 = arith.constant 5 : i32
    %mul3A_26 = arith.muli %arg1, %mul3A_25 : i32
    %add3A_27 = arith.constant 4 : i32
    %add3A_28 = arith.addi %mul3A_26, %add3A_27 : i32
    %mul3A_29 = arith.constant 128 : i32
    %mul3A_30 = arith.muli %add3A_28, %mul3A_29 : i32
    "tpu.region"() ({
      %run_scoped3A = tpu.sem_alloc : memref<!tpu.dma_semaphore, #tpu.memory_space<semaphore_mem>>
      %dma_start3A_51 = arith.constant 0 : i32
      %dma_start3A_52 = tpu.memref_slice %arg15[%mul3A_30, %dma_start3A_51] : memref<10240x128xf32, #tpu.memory_space<vmem_shared>> -> memref<128x128xf32, #tpu.memory_space<vmem_shared>>
      tpu.enqueue_dma source(%arg7 : memref<128x128xf32, #tpu.memory_space<hbm>>) target(%dma_start3A_52 : memref<128x128xf32, #tpu.memory_space<vmem_shared>>) target_semaphore(%run_scoped3A : memref<!tpu.dma_semaphore, #tpu.memory_space<semaphore_mem>>)
      %dma_wait3A_53 = arith.constant 0 : i32
      %dma_wait3A_54 = tpu.memref_slice %arg15[%mul3A_30, %dma_wait3A_53] : memref<10240x128xf32, #tpu.memory_space<vmem_shared>> -> memref<128x128xf32, #tpu.memory_space<vmem_shared>>
      tpu.wait_dma2 semaphore(%run_scoped3A : memref<!tpu.dma_semaphore, #tpu.memory_space<semaphore_mem>>) src(%arg7 : memref<128x128xf32, #tpu.memory_space<hbm>>) dst(%dma_wait3A_54 : memref<128x128xf32, #tpu.memory_space<vmem_shared>>)
      tpu.yield
    }) : () -> ()
    "tpu.region"() ({
      %run_scoped3A = tpu.sem_alloc : memref<!tpu.dma_semaphore, #tpu.memory_space<semaphore_mem>>
      %dma_start3A_51 = arith.constant 0 : i32
      %dma_start3A_52 = tpu.memref_slice %arg5[%add3A, %dma_start3A_51] : memref<32x16xi32, #tpu.memory_space<hbm>> -> memref<1x16xi32, #tpu.memory_space<hbm>>
      %dma_start3A_53 = tpu.memref_squeeze %dma_start3A_52 : memref<1x16xi32, #tpu.memory_space<hbm>> -> memref<16xi32, #tpu.memory_space<hbm>>
      %dma_start3A_54 = arith.constant 0 : i32
      %dma_start3A_55 = tpu.memref_slice %arg5[%add3A, %dma_start3A_54] : memref<32x16xi32, #tpu.memory_space<hbm>> -> memref<1x16xi32, #tpu.memory_space<hbm>>
      %dma_start3A_56 = tpu.memref_squeeze %dma_start3A_55 : memref<1x16xi32, #tpu.memory_space<hbm>> -> memref<16xi32, #tpu.memory_space<hbm>>
      tpu.enqueue_dma source(%dma_start3A_56 : memref<16xi32, #tpu.memory_space<hbm>>) target(%arg11 : memref<16xi32, #tpu.memory_space<vmem>>) target_semaphore(%run_scoped3A : memref<!tpu.dma_semaphore, #tpu.memory_space<semaphore_mem>>)
      %dma_wait3A_57 = arith.constant 0 : i32
      %dma_wait3A_58 = tpu.memref_slice %arg5[%add3A, %dma_wait3A_57] : memref<32x16xi32, #tpu.memory_space<hbm>> -> memref<1x16xi32, #tpu.memory_space<hbm>>
      %dma_wait3A_59 = tpu.memref_squeeze %dma_wait3A_58 : memref<1x16xi32, #tpu.memory_space<hbm>> -> memref<16xi32, #tpu.memory_space<hbm>>
      %dma_wait3A_60 = arith.constant 0 : i32
      %dma_wait3A_61 = tpu.memref_slice %arg5[%add3A, %dma_wait3A_60] : memref<32x16xi32, #tpu.memory_space<hbm>> -> memref<1x16xi32, #tpu.memory_space<hbm>>
      %dma_wait3A_62 = tpu.memref_squeeze %dma_wait3A_61 : memref<1x16xi32, #tpu.memory_space<hbm>> -> memref<16xi32, #tpu.memory_space<hbm>>
      tpu.wait_dma2 semaphore(%run_scoped3A : memref<!tpu.dma_semaphore, #tpu.memory_space<semaphore_mem>>) src(%dma_wait3A_62 : memref<16xi32, #tpu.memory_space<hbm>>) dst(%arg11 : memref<16xi32, #tpu.memory_space<vmem>>)
      tpu.yield
    }) : () -> ()
    "tpu.region"() ({
      %run_scoped3A = tpu.sem_alloc : memref<!tpu.dma_semaphore, #tpu.memory_space<semaphore_mem>>
      %dma_start3A_51 = arith.constant 0 : i32
      %dma_start3A_52 = tpu.memref_slice %arg6[%add3A, %dma_start3A_51] : memref<32x16xi32, #tpu.memory_space<hbm>> -> memref<1x16xi32, #tpu.memory_space<hbm>>
      %dma_start3A_53 = tpu.memref_squeeze %dma_start3A_52 : memref<1x16xi32, #tpu.memory_space<hbm>> -> memref<16xi32, #tpu.memory_space<hbm>>
      %dma_start3A_54 = arith.constant 0 : i32
      %dma_start3A_55 = tpu.memref_slice %arg6[%add3A, %dma_start3A_54] : memref<32x16xi32, #tpu.memory_space<hbm>> -> memref<1x16xi32, #tpu.memory_space<hbm>>
      %dma_start3A_56 = tpu.memref_squeeze %dma_start3A_55 : memref<1x16xi32, #tpu.memory_space<hbm>> -> memref<16xi32, #tpu.memory_space<hbm>>
      tpu.enqueue_dma source(%dma_start3A_56 : memref<16xi32, #tpu.memory_space<hbm>>) target(%arg12 : memref<16xi32, #tpu.memory_space<vmem>>) target_semaphore(%run_scoped3A : memref<!tpu.dma_semaphore, #tpu.memory_space<semaphore_mem>>)
      %dma_wait3A_57 = arith.constant 0 : i32
      %dma_wait3A_58 = tpu.memref_slice %arg6[%add3A, %dma_wait3A_57] : memref<32x16xi32, #tpu.memory_space<hbm>> -> memref<1x16xi32, #tpu.memory_space<hbm>>
      %dma_wait3A_59 = tpu.memref_squeeze %dma_wait3A_58 : memref<1x16xi32, #tpu.memory_space<hbm>> -> memref<16xi32, #tpu.memory_space<hbm>>
      %dma_wait3A_60 = arith.constant 0 : i32
      %dma_wait3A_61 = tpu.memref_slice %arg6[%add3A, %dma_wait3A_60] : memref<32x16xi32, #tpu.memory_space<hbm>> -> memref<1x16xi32, #tpu.memory_space<hbm>>
      %dma_wait3A_62 = tpu.memref_squeeze %dma_wait3A_61 : memref<1x16xi32, #tpu.memory_space<hbm>> -> memref<16xi32, #tpu.memory_space<hbm>>
      tpu.wait_dma2 semaphore(%run_scoped3A : memref<!tpu.dma_semaphore, #tpu.memory_space<semaphore_mem>>) src(%dma_wait3A_62 : memref<16xi32, #tpu.memory_space<hbm>>) dst(%arg12 : memref<16xi32, #tpu.memory_space<vmem>>)
      tpu.yield
    }) : () -> ()
    %barrier3A = arith.constant 0 : index
    tpu.barrier barrier_id(%barrier3A)
    %scan3A = arith.constant 0 : i32
    %scan3A_31 = arith.constant 0 : i32
    %scan3A_32 = arith.constant 3 : i32
    %scan3A_33 = arith.addi %scan3A_31, %scan3A_32 : i32
    %scan3A_34 = arith.constant 1 : i32
    scf.for %scan3A_51 = %scan3A_31 to %scan3A_33 step %scan3A_34  : i32 {
      "tpu.region"() ({
        %run_scoped3A = tpu.sem_alloc : memref<!tpu.dma_semaphore, #tpu.memory_space<semaphore_mem>>
        %dma_start3A_65 = arith.constant 0 : i32
        %dma_start3A_66 = arith.constant 0 : i32
        %dma_start3A_67 = tpu.memref_slice %arg3[%add3A, %scan3A_51, %dma_start3A_65, %dma_start3A_66] : memref<32x3x26x128xi32, #tpu.memory_space<hbm>> -> memref<1x1x26x128xi32, #tpu.memory_space<hbm>>
        %dma_start3A_68 = tpu.memref_squeeze %dma_start3A_67 : memref<1x1x26x128xi32, #tpu.memory_space<hbm>> -> memref<26x128xi32, #tpu.memory_space<hbm>>
        %dma_start3A_69 = arith.constant 0 : i32
        %dma_start3A_70 = arith.constant 0 : i32
        %dma_start3A_71 = tpu.memref_slice %arg3[%add3A, %scan3A_51, %dma_start3A_69, %dma_start3A_70] : memref<32x3x26x128xi32, #tpu.memory_space<hbm>> -> memref<1x1x26x128xi32, #tpu.memory_space<hbm>>
        %dma_start3A_72 = tpu.memref_squeeze %dma_start3A_71 : memref<1x1x26x128xi32, #tpu.memory_space<hbm>> -> memref<26x128xi32, #tpu.memory_space<hbm>>
        tpu.enqueue_dma source(%dma_start3A_72 : memref<26x128xi32, #tpu.memory_space<hbm>>) target(%arg9 : memref<26x128xi32, #tpu.memory_space<vmem>>) target_semaphore(%run_scoped3A : memref<!tpu.dma_semaphore, #tpu.memory_space<semaphore_mem>>)
        %dma_wait3A_73 = arith.constant 0 : i32
        %dma_wait3A_74 = arith.constant 0 : i32
        %dma_wait3A_75 = tpu.memref_slice %arg3[%add3A, %scan3A_51, %dma_wait3A_73, %dma_wait3A_74] : memref<32x3x26x128xi32, #tpu.memory_space<hbm>> -> memref<1x1x26x128xi32, #tpu.memory_space<hbm>>
        %dma_wait3A_76 = tpu.memref_squeeze %dma_wait3A_75 : memref<1x1x26x128xi32, #tpu.memory_space<hbm>> -> memref<26x128xi32, #tpu.memory_space<hbm>>
        %dma_wait3A_77 = arith.constant 0 : i32
        %dma_wait3A_78 = arith.constant 0 : i32
        %dma_wait3A_79 = tpu.memref_slice %arg3[%add3A, %scan3A_51, %dma_wait3A_77, %dma_wait3A_78] : memref<32x3x26x128xi32, #tpu.memory_space<hbm>> -> memref<1x1x26x128xi32, #tpu.memory_space<hbm>>
        %dma_wait3A_80 = tpu.memref_squeeze %dma_wait3A_79 : memref<1x1x26x128xi32, #tpu.memory_space<hbm>> -> memref<26x128xi32, #tpu.memory_space<hbm>>
        tpu.wait_dma2 semaphore(%run_scoped3A : memref<!tpu.dma_semaphore, #tpu.memory_space<semaphore_mem>>) src(%dma_wait3A_80 : memref<26x128xi32, #tpu.memory_space<hbm>>) dst(%arg9 : memref<26x128xi32, #tpu.memory_space<vmem>>)
        tpu.yield
      }) : () -> ()
      "tpu.region"() ({
        %run_scoped3A = tpu.sem_alloc : memref<!tpu.dma_semaphore, #tpu.memory_space<semaphore_mem>>
        %dma_start3A_65 = arith.constant 0 : i32
        %dma_start3A_66 = arith.constant 0 : i32
        %dma_start3A_67 = tpu.memref_slice %arg4[%add3A, %scan3A_51, %dma_start3A_65, %dma_start3A_66] : memref<32x3x26x128xi32, #tpu.memory_space<hbm>> -> memref<1x1x26x128xi32, #tpu.memory_space<hbm>>
        %dma_start3A_68 = tpu.memref_squeeze %dma_start3A_67 : memref<1x1x26x128xi32, #tpu.memory_space<hbm>> -> memref<26x128xi32, #tpu.memory_space<hbm>>
        %dma_start3A_69 = arith.constant 0 : i32
        %dma_start3A_70 = arith.constant 0 : i32
        %dma_start3A_71 = tpu.memref_slice %arg4[%add3A, %scan3A_51, %dma_start3A_69, %dma_start3A_70] : memref<32x3x26x128xi32, #tpu.memory_space<hbm>> -> memref<1x1x26x128xi32, #tpu.memory_space<hbm>>
        %dma_start3A_72 = tpu.memref_squeeze %dma_start3A_71 : memref<1x1x26x128xi32, #tpu.memory_space<hbm>> -> memref<26x128xi32, #tpu.memory_space<hbm>>
        tpu.enqueue_dma source(%dma_start3A_72 : memref<26x128xi32, #tpu.memory_space<hbm>>) target(%arg10 : memref<26x128xi32, #tpu.memory_space<vmem>>) target_semaphore(%run_scoped3A : memref<!tpu.dma_semaphore, #tpu.memory_space<semaphore_mem>>)
        %dma_wait3A_73 = arith.constant 0 : i32
        %dma_wait3A_74 = arith.constant 0 : i32
        %dma_wait3A_75 = tpu.memref_slice %arg4[%add3A, %scan3A_51, %dma_wait3A_73, %dma_wait3A_74] : memref<32x3x26x128xi32, #tpu.memory_space<hbm>> -> memref<1x1x26x128xi32, #tpu.memory_space<hbm>>
        %dma_wait3A_76 = tpu.memref_squeeze %dma_wait3A_75 : memref<1x1x26x128xi32, #tpu.memory_space<hbm>> -> memref<26x128xi32, #tpu.memory_space<hbm>>
        %dma_wait3A_77 = arith.constant 0 : i32
        %dma_wait3A_78 = arith.constant 0 : i32
        %dma_wait3A_79 = tpu.memref_slice %arg4[%add3A, %scan3A_51, %dma_wait3A_77, %dma_wait3A_78] : memref<32x3x26x128xi32, #tpu.memory_space<hbm>> -> memref<1x1x26x128xi32, #tpu.memory_space<hbm>>
        %dma_wait3A_80 = tpu.memref_squeeze %dma_wait3A_79 : memref<1x1x26x128xi32, #tpu.memory_space<hbm>> -> memref<26x128xi32, #tpu.memory_space<hbm>>
        tpu.wait_dma2 semaphore(%run_scoped3A : memref<!tpu.dma_semaphore, #tpu.memory_space<semaphore_mem>>) src(%dma_wait3A_80 : memref<26x128xi32, #tpu.memory_space<hbm>>) dst(%arg10 : memref<26x128xi32, #tpu.memory_space<vmem>>)
        tpu.yield
      }) : () -> ()
      %dma_start3A_52 = arith.constant 0 : i32
      %dma_start3A_53 = arith.constant 0 : i32
      %dma_start3A_54 = tpu.memref_slice %arg9[%dma_start3A_52, %dma_start3A_53] : memref<26x128xi32, #tpu.memory_space<vmem>> -> memref<1x128xi32, #tpu.memory_space<vmem>>
      %dma_start3A_55 = tpu.memref_squeeze %dma_start3A_54 : memref<1x128xi32, #tpu.memory_space<vmem>> -> memref<128xi32, #tpu.memory_space<vmem>>
      %dma_start3A_56 = arith.constant 0 : i32
      %dma_start3A_57 = arith.constant 0 : i32
      %dma_start3A_58 = tpu.memref_slice %arg2[%dma_start3A_56, %dma_start3A_57] : memref<10240x128xf32, #tpu.memory_space<hbm>> -> memref<10240x128xf32, #tpu.memory_space<hbm>>
      tpu.enqueue_indirect_dma source(%dma_start3A_58 : memref<10240x128xf32, #tpu.memory_space<hbm>>) target(%arg13 : memref<128x128xf32, #tpu.memory_space<vmem>>) offsets(%dma_start3A_55 : memref<128xi32, #tpu.memory_space<vmem>>) semaphore(%arg16 : memref<!tpu.dma_semaphore, #tpu.memory_space<semaphore_mem>>)
      %scan3A_59 = arith.constant 0 : i32
      %scan3A_60 = arith.constant 0 : i32
      %scan3A_61 = arith.constant 13 : i32
      %scan3A_62 = arith.addi %scan3A_60, %scan3A_61 : i32
      %scan3A_63 = arith.constant 1 : i32
      scf.for %scan3A_65 = %scan3A_60 to %scan3A_62 step %scan3A_63  : i32 {
        tpu.wait_dma2 semaphore(%arg16 : memref<!tpu.dma_semaphore, #tpu.memory_space<semaphore_mem>>) src(%arg7 : memref<128x128xf32, #tpu.memory_space<hbm>>) dst(%arg13 : memref<128x128xf32, #tpu.memory_space<vmem>>)
        %gt3A = arith.constant 0 : i32
        %gt3A_66 = arith.cmpi sgt, %scan3A_65, %gt3A : i32
        %convert_element_type3A = arith.extui %gt3A_66 : i1 to i32
        %cond3A = arith.constant 0 : i32
        %cond3A_67 = arith.cmpi ne, %convert_element_type3A, %cond3A : i32
        scf.if %cond3A_67 {
          tpu.wait_dma2 semaphore(%arg19 : memref<!tpu.dma_semaphore, #tpu.memory_space<semaphore_mem>>) src(%arg7 : memref<128x128xf32, #tpu.memory_space<hbm>>) dst(%arg14 : memref<128x128xf32, #tpu.memory_space<vmem>>)
        } else {
        }
        %mul3A_68 = arith.constant 2 : i32
        %mul3A_69 = arith.muli %mul3A_68, %scan3A_65 : i32
        %add3A_70 = arith.constant 1 : i32
        %add3A_71 = arith.addi %mul3A_69, %add3A_70 : i32
        %dma_start3A_72 = arith.constant 0 : i32
        %dma_start3A_73 = tpu.memref_slice %arg9[%add3A_71, %dma_start3A_72] : memref<26x128xi32, #tpu.memory_space<vmem>> -> memref<1x128xi32, #tpu.memory_space<vmem>>
        %dma_start3A_74 = tpu.memref_squeeze %dma_start3A_73 : memref<1x128xi32, #tpu.memory_space<vmem>> -> memref<128xi32, #tpu.memory_space<vmem>>
        %dma_start3A_75 = arith.constant 0 : i32
        %dma_start3A_76 = arith.constant 0 : i32
        %dma_start3A_77 = tpu.memref_slice %arg2[%dma_start3A_75, %dma_start3A_76] : memref<10240x128xf32, #tpu.memory_space<hbm>> -> memref<10240x128xf32, #tpu.memory_space<hbm>>
        tpu.enqueue_indirect_dma source(%dma_start3A_77 : memref<10240x128xf32, #tpu.memory_space<hbm>>) target(%arg14 : memref<128x128xf32, #tpu.memory_space<vmem>>) offsets(%dma_start3A_74 : memref<128xi32, #tpu.memory_space<vmem>>) semaphore(%arg17 : memref<!tpu.dma_semaphore, #tpu.memory_space<semaphore_mem>>)
        %mul3A_78 = arith.constant 2 : i32
        %mul3A_79 = arith.muli %mul3A_78, %scan3A_65 : i32
        %dma_start3A_80 = arith.constant 0 : i32
        %dma_start3A_81 = tpu.memref_slice %arg10[%mul3A_79, %dma_start3A_80] : memref<26x128xi32, #tpu.memory_space<vmem>> -> memref<1x128xi32, #tpu.memory_space<vmem>>
        %dma_start3A_82 = tpu.memref_squeeze %dma_start3A_81 : memref<1x128xi32, #tpu.memory_space<vmem>> -> memref<128xi32, #tpu.memory_space<vmem>>
        %dma_start3A_83 = arith.constant 0 : i32
        %dma_start3A_84 = arith.constant 0 : i32
        %dma_start3A_85 = tpu.memref_slice %arg15[%dma_start3A_83, %dma_start3A_84] : memref<10240x128xf32, #tpu.memory_space<vmem_shared>> -> memref<10240x128xf32, #tpu.memory_space<vmem_shared>>
        tpu.enqueue_indirect_dma source(%arg13 : memref<128x128xf32, #tpu.memory_space<vmem>>) target(%dma_start3A_85 : memref<10240x128xf32, #tpu.memory_space<vmem_shared>>) offsets(%dma_start3A_82 : memref<128xi32, #tpu.memory_space<vmem>>) semaphore(%arg18 : memref<!tpu.dma_semaphore, #tpu.memory_space<semaphore_mem>>) {add = true}
        tpu.wait_dma2 semaphore(%arg17 : memref<!tpu.dma_semaphore, #tpu.memory_space<semaphore_mem>>) src(%arg7 : memref<128x128xf32, #tpu.memory_space<hbm>>) dst(%arg14 : memref<128x128xf32, #tpu.memory_space<vmem>>)
        tpu.wait_dma2 semaphore(%arg18 : memref<!tpu.dma_semaphore, #tpu.memory_space<semaphore_mem>>) src(%arg7 : memref<128x128xf32, #tpu.memory_space<hbm>>) dst(%arg13 : memref<128x128xf32, #tpu.memory_space<vmem>>)
        %lt3A = arith.constant 12 : i32
        %lt3A_86 = arith.cmpi slt, %scan3A_65, %lt3A : i32
        %convert_element_type3A_87 = arith.extui %lt3A_86 : i1 to i32
        %cond3A_88 = arith.constant 0 : i32
        %cond3A_89 = arith.cmpi ne, %convert_element_type3A_87, %cond3A_88 : i32
        scf.if %cond3A_89 {
          %mul3A_100 = arith.constant 2 : i32
          %mul3A_101 = arith.muli %mul3A_100, %scan3A_65 : i32
          %add3A_102 = arith.constant 2 : i32
          %add3A_103 = arith.addi %mul3A_101, %add3A_102 : i32
          %dma_start3A_104 = arith.constant 0 : i32
          %dma_start3A_105 = tpu.memref_slice %arg9[%add3A_103, %dma_start3A_104] : memref<26x128xi32, #tpu.memory_space<vmem>> -> memref<1x128xi32, #tpu.memory_space<vmem>>
          %dma_start3A_106 = tpu.memref_squeeze %dma_start3A_105 : memref<1x128xi32, #tpu.memory_space<vmem>> -> memref<128xi32, #tpu.memory_space<vmem>>
          %dma_start3A_107 = arith.constant 0 : i32
          %dma_start3A_108 = arith.constant 0 : i32
          %dma_start3A_109 = tpu.memref_slice %arg2[%dma_start3A_107, %dma_start3A_108] : memref<10240x128xf32, #tpu.memory_space<hbm>> -> memref<10240x128xf32, #tpu.memory_space<hbm>>
          tpu.enqueue_indirect_dma source(%dma_start3A_109 : memref<10240x128xf32, #tpu.memory_space<hbm>>) target(%arg13 : memref<128x128xf32, #tpu.memory_space<vmem>>) offsets(%dma_start3A_106 : memref<128xi32, #tpu.memory_space<vmem>>) semaphore(%arg16 : memref<!tpu.dma_semaphore, #tpu.memory_space<semaphore_mem>>)
        } else {
        }
        %mul3A_90 = arith.constant 2 : i32
        %mul3A_91 = arith.muli %mul3A_90, %scan3A_65 : i32
        %add3A_92 = arith.constant 1 : i32
        %add3A_93 = arith.addi %mul3A_91, %add3A_92 : i32
        %dma_start3A_94 = arith.constant 0 : i32
        %dma_start3A_95 = tpu.memref_slice %arg10[%add3A_93, %dma_start3A_94] : memref<26x128xi32, #tpu.memory_space<vmem>> -> memref<1x128xi32, #tpu.memory_space<vmem>>
        %dma_start3A_96 = tpu.memref_squeeze %dma_start3A_95 : memref<1x128xi32, #tpu.memory_space<vmem>> -> memref<128xi32, #tpu.memory_space<vmem>>
        %dma_start3A_97 = arith.constant 0 : i32
        %dma_start3A_98 = arith.constant 0 : i32
        %dma_start3A_99 = tpu.memref_slice %arg15[%dma_start3A_97, %dma_start3A_98] : memref<10240x128xf32, #tpu.memory_space<vmem_shared>> -> memref<10240x128xf32, #tpu.memory_space<vmem_shared>>
        tpu.enqueue_indirect_dma source(%arg14 : memref<128x128xf32, #tpu.memory_space<vmem>>) target(%dma_start3A_99 : memref<10240x128xf32, #tpu.memory_space<vmem_shared>>) offsets(%dma_start3A_96 : memref<128xi32, #tpu.memory_space<vmem>>) semaphore(%arg19 : memref<!tpu.dma_semaphore, #tpu.memory_space<semaphore_mem>>) {add = true}
      }
      %scan3A_64 = arith.constant 13 : i32
      tpu.wait_dma2 semaphore(%arg19 : memref<!tpu.dma_semaphore, #tpu.memory_space<semaphore_mem>>) src(%arg7 : memref<128x128xf32, #tpu.memory_space<hbm>>) dst(%arg14 : memref<128x128xf32, #tpu.memory_space<vmem>>)
    }
    %scan3A_35 = arith.constant 3 : i32
    %dma_start3A = arith.constant 0 : i32
    %dma_start3A_36 = arith.constant 0 : i32
    %dma_start3A_37 = tpu.memref_slice %arg13[%dma_start3A, %dma_start3A_36] : memref<128x128xf32, #tpu.memory_space<vmem>> -> memref<16x128xf32, #tpu.memory_space<vmem>>
    %dma_start3A_38 = arith.constant 0 : i32
    %dma_start3A_39 = arith.constant 0 : i32
    %dma_start3A_40 = tpu.memref_slice %arg2[%dma_start3A_38, %dma_start3A_39] : memref<10240x128xf32, #tpu.memory_space<hbm>> -> memref<10240x128xf32, #tpu.memory_space<hbm>>
    tpu.enqueue_indirect_dma source(%dma_start3A_40 : memref<10240x128xf32, #tpu.memory_space<hbm>>) target(%dma_start3A_37 : memref<16x128xf32, #tpu.memory_space<vmem>>) offsets(%arg11 : memref<16xi32, #tpu.memory_space<vmem>>) semaphore(%arg16 : memref<!tpu.dma_semaphore, #tpu.memory_space<semaphore_mem>>)
    %dma_wait3A = arith.constant 0 : i32
    %dma_wait3A_41 = arith.constant 0 : i32
    %dma_wait3A_42 = tpu.memref_slice %arg13[%dma_wait3A, %dma_wait3A_41] : memref<128x128xf32, #tpu.memory_space<vmem>> -> memref<16x128xf32, #tpu.memory_space<vmem>>
    %dma_wait3A_43 = arith.constant 0 : i32
    %dma_wait3A_44 = arith.constant 0 : i32
    %dma_wait3A_45 = tpu.memref_slice %arg2[%dma_wait3A_43, %dma_wait3A_44] : memref<10240x128xf32, #tpu.memory_space<hbm>> -> memref<10240x128xf32, #tpu.memory_space<hbm>>
    tpu.wait_indirect_dma semaphore(%arg16 : memref<!tpu.dma_semaphore, #tpu.memory_space<semaphore_mem>>) src(%dma_wait3A_45 : memref<10240x128xf32, #tpu.memory_space<hbm>>) dst(%dma_wait3A_42 : memref<16x128xf32, #tpu.memory_space<vmem>>)
    "tpu.region"() ({
      %run_scoped3A = tpu.sem_alloc : memref<!tpu.dma_semaphore, #tpu.memory_space<semaphore_mem>>
      %dma_start3A_51 = arith.constant 0 : i32
      %dma_start3A_52 = arith.constant 0 : i32
      %dma_start3A_53 = tpu.memref_slice %arg13[%dma_start3A_51, %dma_start3A_52] : memref<128x128xf32, #tpu.memory_space<vmem>> -> memref<16x128xf32, #tpu.memory_space<vmem>>
      %dma_start3A_54 = arith.constant 0 : i32
      %dma_start3A_55 = arith.constant 0 : i32
      %dma_start3A_56 = tpu.memref_slice %arg15[%dma_start3A_54, %dma_start3A_55] : memref<10240x128xf32, #tpu.memory_space<vmem_shared>> -> memref<10240x128xf32, #tpu.memory_space<vmem_shared>>
      tpu.enqueue_indirect_dma source(%dma_start3A_53 : memref<16x128xf32, #tpu.memory_space<vmem>>) target(%dma_start3A_56 : memref<10240x128xf32, #tpu.memory_space<vmem_shared>>) offsets(%arg12 : memref<16xi32, #tpu.memory_space<vmem>>) semaphore(%run_scoped3A : memref<!tpu.dma_semaphore, #tpu.memory_space<semaphore_mem>>) {add = true}
      %dma_wait3A_57 = arith.constant 0 : i32
      %dma_wait3A_58 = arith.constant 0 : i32
      %dma_wait3A_59 = tpu.memref_slice %arg13[%dma_wait3A_57, %dma_wait3A_58] : memref<128x128xf32, #tpu.memory_space<vmem>> -> memref<16x128xf32, #tpu.memory_space<vmem>>
      %dma_wait3A_60 = arith.constant 0 : i32
      %dma_wait3A_61 = arith.constant 0 : i32
      %dma_wait3A_62 = tpu.memref_slice %arg15[%dma_wait3A_60, %dma_wait3A_61] : memref<10240x128xf32, #tpu.memory_space<vmem_shared>> -> memref<10240x128xf32, #tpu.memory_space<vmem_shared>>
      tpu.wait_indirect_dma semaphore(%run_scoped3A : memref<!tpu.dma_semaphore, #tpu.memory_space<semaphore_mem>>) src(%dma_wait3A_59 : memref<16x128xf32, #tpu.memory_space<vmem>>) dst(%dma_wait3A_62 : memref<10240x128xf32, #tpu.memory_space<vmem_shared>>)
      tpu.yield
    }) : () -> ()
    %barrier3A_46 = arith.constant 0 : index
    tpu.barrier barrier_id(%barrier3A_46)
    %mul3A_47 = arith.constant 640 : i32
    %mul3A_48 = arith.muli %arg1, %mul3A_47 : i32
    %mul3A_49 = arith.constant 640 : i32
    %mul3A_50 = arith.muli %arg1, %mul3A_49 : i32
    "tpu.region"() ({
      %run_scoped3A = tpu.sem_alloc : memref<!tpu.dma_semaphore, #tpu.memory_space<semaphore_mem>>
      %dma_start3A_51 = arith.constant 0 : i32
      %dma_start3A_52 = tpu.memref_slice %arg8[%arg0, %mul3A_50, %dma_start3A_51] : memref<2x10240x128xf32, #tpu.memory_space<hbm>> -> memref<1x640x128xf32, #tpu.memory_space<hbm>>
      %dma_start3A_53 = tpu.memref_squeeze %dma_start3A_52 : memref<1x640x128xf32, #tpu.memory_space<hbm>> -> memref<640x128xf32, #tpu.memory_space<hbm>>
      %dma_start3A_54 = arith.constant 0 : i32
      %dma_start3A_55 = tpu.memref_slice %arg15[%mul3A_48, %dma_start3A_54] : memref<10240x128xf32, #tpu.memory_space<vmem_shared>> -> memref<640x128xf32, #tpu.memory_space<vmem_shared>>
      tpu.enqueue_dma source(%dma_start3A_55 : memref<640x128xf32, #tpu.memory_space<vmem_shared>>) target(%dma_start3A_53 : memref<640x128xf32, #tpu.memory_space<hbm>>) target_semaphore(%run_scoped3A : memref<!tpu.dma_semaphore, #tpu.memory_space<semaphore_mem>>)
      %dma_wait3A_56 = arith.constant 0 : i32
      %dma_wait3A_57 = tpu.memref_slice %arg8[%arg0, %mul3A_50, %dma_wait3A_56] : memref<2x10240x128xf32, #tpu.memory_space<hbm>> -> memref<1x640x128xf32, #tpu.memory_space<hbm>>
      %dma_wait3A_58 = tpu.memref_squeeze %dma_wait3A_57 : memref<1x640x128xf32, #tpu.memory_space<hbm>> -> memref<640x128xf32, #tpu.memory_space<hbm>>
      %dma_wait3A_59 = arith.constant 0 : i32
      %dma_wait3A_60 = tpu.memref_slice %arg15[%mul3A_48, %dma_wait3A_59] : memref<10240x128xf32, #tpu.memory_space<vmem_shared>> -> memref<640x128xf32, #tpu.memory_space<vmem_shared>>
      tpu.wait_dma2 semaphore(%run_scoped3A : memref<!tpu.dma_semaphore, #tpu.memory_space<semaphore_mem>>) src(%dma_wait3A_60 : memref<640x128xf32, #tpu.memory_space<vmem_shared>>) dst(%dma_wait3A_58 : memref<640x128xf32, #tpu.memory_space<hbm>>)
      tpu.yield
    }) : () -> ()
    return
  }
}

module attributes {stable_mosaic.version = 14 : i64} {
  func.func @_xnorm_body(%arg0: i32, %arg1: memref<2x2x1024xf32, #tpu.memory_space<vmem>>, %arg2: memref<1024x128xf32, #tpu.memory_space<vmem>>, %arg3: memref<1024x128xf32, #tpu.memory_space<vmem>>) attributes {dimension_semantics = [#tpu.dimension_semantics<arbitrary>], iteration_bounds = array<i64: 10>, scalar_prefetch = 0 : i64, scratch_operands = 0 : i64, tpu.core_type = #tpu.core_type<tc>, window_params = [{transform_indices = @transform_0, window_bounds = array<i64: 2, 2, 1024>}, {transform_indices = @transform_1, window_bounds = array<i64: 1024, 128>}, {transform_indices = @transform_2, window_bounds = array<i64: 1024, 128>}]} {
    %get3A = arith.constant 0 : index
    %get3A_0 = arith.constant 0 : index
    %get3A_1 = arith.constant 0 : index
    %get3A_2 = vector.load %arg1[%get3A, %get3A_0, %get3A_1] : memref<2x2x1024xf32, #tpu.memory_space<vmem>>, vector<1x1x1024xf32>
    %get3A_3 = vector.shape_cast %get3A_2 : vector<1x1x1024xf32> to vector<1024xf32>
    %get3A_4 = arith.constant 1 : index
    %get3A_5 = arith.constant 0 : index
    %get3A_6 = arith.constant 0 : index
    %get3A_7 = vector.load %arg1[%get3A_4, %get3A_5, %get3A_6] : memref<2x2x1024xf32, #tpu.memory_space<vmem>>, vector<1x1x1024xf32>
    %get3A_8 = vector.shape_cast %get3A_7 : vector<1x1x1024xf32> to vector<1024xf32>
    %add3A = arith.addf %get3A_3, %get3A_8 : vector<1024xf32>
    %max3A = arith.constant 1.000000e+00 : f32
    %max3A_9 = vector.broadcast %max3A : f32 to vector<1024xf32>
    %max3A_10 = arith.maximumf %add3A, %max3A_9 : vector<1024xf32>
    %rsqrt3A = math.rsqrt %max3A_10 : vector<1024xf32>
    %get3A_11 = arith.constant 0 : index
    %get3A_12 = arith.constant 0 : index
    %get3A_13 = vector.load %arg2[%get3A_11, %get3A_12] : memref<1024x128xf32, #tpu.memory_space<vmem>>, vector<1024x128xf32>
    %broadcast_in_dim3A = vector.shape_cast %rsqrt3A : vector<1024xf32> to vector<1024x1xf32>
    %mul3A = vector.broadcast %broadcast_in_dim3A : vector<1024x1xf32> to vector<1024x128xf32>
    %mul3A_14 = arith.mulf %get3A_13, %mul3A : vector<1024x128xf32>
    %swap3A = arith.constant 0 : index
    %swap3A_15 = arith.constant 0 : index
    %swap3A_16 = vector.load %arg3[%swap3A, %swap3A_15] : memref<1024x128xf32, #tpu.memory_space<vmem>>, vector<1024x128xf32>
    tpu.vector_store %arg3[%swap3A, %swap3A_15], %mul3A_14 {strides = array<i32>} : memref<1024x128xf32, #tpu.memory_space<vmem>>, vector<1024x128xf32>,
    return
  }
  func.func @transform_0(%arg0: i32) -> (i32, i32, i32) {
    %c0_i32 = arith.constant 0 : i32
    %c0_i32_0 = arith.constant 0 : i32
    %c0_i32_1 = arith.constant 0 : i32
    return %c0_i32, %c0_i32_0, %arg0 : i32, i32, i32
  }
  func.func @transform_1(%arg0: i32) -> (i32, i32) {
    %c0_i32 = arith.constant 0 : i32
    %c0_i32_0 = arith.constant 0 : i32
    return %arg0, %c0_i32 : i32, i32
  }
  func.func @transform_2(%arg0: i32) -> (i32, i32) {
    %c0_i32 = arith.constant 0 : i32
    %c0_i32_0 = arith.constant 0 : i32
    return %arg0, %c0_i32 : i32, i32
  }
}

module attributes {stable_mosaic.version = 14 : i64} {
  func.func @_final_body(%arg0: i32, %arg1: memref<2x1024x128xf32, #tpu.memory_space<vmem>>, %arg2: memref<2x2x1024xf32, #tpu.memory_space<vmem>>, %arg3: memref<128x128xf32, #tpu.memory_space<vmem>>, %arg4: memref<128xf32, #tpu.memory_space<vmem>>, %arg5: memref<128x1xf32, #tpu.memory_space<vmem>>, %arg6: memref<1024x128xf32, #tpu.memory_space<vmem>>, %arg7: memref<1024x1xf32, #tpu.memory_space<vmem>>) attributes {dimension_semantics = [#tpu.dimension_semantics<arbitrary>], iteration_bounds = array<i64: 10>, scalar_prefetch = 0 : i64, scratch_operands = 0 : i64, tpu.core_type = #tpu.core_type<tc>, window_params = [{transform_indices = @transform_0, window_bounds = array<i64: 2, 1024, 128>}, {transform_indices = @transform_1, window_bounds = array<i64: 2, 2, 1024>}, {pipeline_mode = #tpu.pipeline_mode<synchronous>, transform_indices = @transform_2, window_bounds = array<i64: 128, 128>}, {pipeline_mode = #tpu.pipeline_mode<synchronous>, transform_indices = @transform_3, window_bounds = array<i64: 128>}, {pipeline_mode = #tpu.pipeline_mode<synchronous>, transform_indices = @transform_4, window_bounds = array<i64: 128, 1>}, {transform_indices = @transform_5, window_bounds = array<i64: 1024, 128>}, {transform_indices = @transform_6, window_bounds = array<i64: 1024, 1>}]} {
    %get3A = arith.constant 0 : index
    %get3A_0 = arith.constant 1 : index
    %get3A_1 = arith.constant 0 : index
    %get3A_2 = vector.load %arg2[%get3A, %get3A_0, %get3A_1] : memref<2x2x1024xf32, #tpu.memory_space<vmem>>, vector<1x1x1024xf32>
    %get3A_3 = vector.shape_cast %get3A_2 : vector<1x1x1024xf32> to vector<1024xf32>
    %get3A_4 = arith.constant 1 : index
    %get3A_5 = arith.constant 1 : index
    %get3A_6 = arith.constant 0 : index
    %get3A_7 = vector.load %arg2[%get3A_4, %get3A_5, %get3A_6] : memref<2x2x1024xf32, #tpu.memory_space<vmem>>, vector<1x1x1024xf32>
    %get3A_8 = vector.shape_cast %get3A_7 : vector<1x1x1024xf32> to vector<1024xf32>
    %add3A = arith.addf %get3A_3, %get3A_8 : vector<1024xf32>
    %max3A = arith.constant 1.000000e+00 : f32
    %max3A_9 = vector.broadcast %max3A : f32 to vector<1024xf32>
    %max3A_10 = arith.maximumf %add3A, %max3A_9 : vector<1024xf32>
    %rsqrt3A = math.rsqrt %max3A_10 : vector<1024xf32>
    %get3A_11 = arith.constant 0 : index
    %get3A_12 = arith.constant 0 : index
    %get3A_13 = arith.constant 0 : index
    %get3A_14 = vector.load %arg1[%get3A_11, %get3A_12, %get3A_13] : memref<2x1024x128xf32, #tpu.memory_space<vmem>>, vector<1x1024x128xf32>
    %get3A_15 = vector.shape_cast %get3A_14 : vector<1x1024x128xf32> to vector<1024x128xf32>
    %get3A_16 = arith.constant 1 : index
    %get3A_17 = arith.constant 0 : index
    %get3A_18 = arith.constant 0 : index
    %get3A_19 = vector.load %arg1[%get3A_16, %get3A_17, %get3A_18] : memref<2x1024x128xf32, #tpu.memory_space<vmem>>, vector<1x1024x128xf32>
    %get3A_20 = vector.shape_cast %get3A_19 : vector<1x1024x128xf32> to vector<1024x128xf32>
    %add3A_21 = arith.addf %get3A_15, %get3A_20 : vector<1024x128xf32>
    %broadcast_in_dim3A = vector.shape_cast %rsqrt3A : vector<1024xf32> to vector<1024x1xf32>
    %mul3A = vector.broadcast %broadcast_in_dim3A : vector<1024x1xf32> to vector<1024x128xf32>
    %mul3A_22 = arith.mulf %add3A_21, %mul3A : vector<1024x128xf32>
    %get3A_23 = arith.constant 0 : index
    %get3A_24 = arith.constant 0 : index
    %get3A_25 = vector.load %arg3[%get3A_23, %get3A_24] : memref<128x128xf32, #tpu.memory_space<vmem>>, vector<128x128xf32>
    %dot_general3A = arith.constant dense<0.000000e+00> : vector<1024x128xf32>
    %dot_general3A_26 = tpu.matmul %mul3A_22, %get3A_25, %dot_general3A {dimension_numbers = #tpu.dot_dimension_numbers<[1], [0], [0], [1], [0, 0, 1, 1], [], []>, precision = #tpu.contract_precision<fp32>, transpose_lhs_hint = false} : vector<1024x128xf32>, vector<128x128xf32>, vector<1024x128xf32> -> vector<1024x128xf32>
    %get3A_27 = arith.constant 0 : index
    %get3A_28 = vector.load %arg4[%get3A_27] : memref<128xf32, #tpu.memory_space<vmem>>, vector<128xf32>
    %broadcast_in_dim3A_29 = vector.shape_cast %get3A_28 : vector<128xf32> to vector<1x128xf32>
    %add3A_30 = vector.broadcast %broadcast_in_dim3A_29 : vector<1x128xf32> to vector<1024x128xf32>
    %add3A_31 = arith.addf %dot_general3A_26, %add3A_30 : vector<1024x128xf32>
    %get3A_32 = arith.constant 0 : index
    %get3A_33 = arith.constant 0 : index
    %get3A_34 = vector.load %arg5[%get3A_32, %get3A_33] : memref<128x1xf32, #tpu.memory_space<vmem>>, vector<128x1xf32>
    %squeeze3A = vector.shape_cast %get3A_34 : vector<128x1xf32> to vector<128xf32>
    %broadcast_in_dim3A_35 = vector.shape_cast %squeeze3A : vector<128xf32> to vector<1x128xf32>
    %mul3A_36 = vector.broadcast %broadcast_in_dim3A_35 : vector<1x128xf32> to vector<1024x128xf32>
    %mul3A_37 = arith.mulf %add3A_31, %mul3A_36 : vector<1024x128xf32>
    %reduce_sum3A = arith.constant dense<0.000000e+00> : vector<1024xf32>
    %reduce_sum3A_38 = vector.multi_reduction <add>, %mul3A_37, %reduce_sum3A [1] : vector<1024x128xf32> to vector<1024xf32>
    %broadcast_in_dim3A_39 = vector.shape_cast %reduce_sum3A_38 : vector<1024xf32> to vector<1024x1xf32>
    %logistic3A = arith.negf %broadcast_in_dim3A_39 : vector<1024x1xf32>
    %logistic3A_40 = math.exp %logistic3A : vector<1024x1xf32>
    %logistic3A_41 = arith.constant 1.000000e+00 : f32
    %logistic3A_42 = vector.broadcast %logistic3A_41 : f32 to vector<1024x1xf32>
    %logistic3A_43 = arith.addf %logistic3A_42, %logistic3A_40 : vector<1024x1xf32>
    %logistic3A_44 = arith.divf %logistic3A_42, %logistic3A_43 : vector<1024x1xf32>
    %mul3A_45 = vector.broadcast %logistic3A_44 : vector<1024x1xf32> to vector<1024x128xf32>
    %mul3A_46 = arith.mulf %add3A_31, %mul3A_45 : vector<1024x128xf32>
    %swap3A = arith.constant 0 : index
    %swap3A_47 = arith.constant 0 : index
    %swap3A_48 = vector.load %arg6[%swap3A, %swap3A_47] : memref<1024x128xf32, #tpu.memory_space<vmem>>, vector<1024x128xf32>
    tpu.vector_store %arg6[%swap3A, %swap3A_47], %mul3A_46 {strides = array<i32>} : memref<1024x128xf32, #tpu.memory_space<vmem>>, vector<1024x128xf32>,
    %swap3A_49 = arith.constant 0 : index
    %swap3A_50 = arith.constant 0 : index
    %swap3A_51 = vector.load %arg7[%swap3A_49, %swap3A_50] : memref<1024x1xf32, #tpu.memory_space<vmem>>, vector<1024x1xf32>
    tpu.vector_store %arg7[%swap3A_49, %swap3A_50], %logistic3A_44 {strides = array<i32>} : memref<1024x1xf32, #tpu.memory_space<vmem>>, vector<1024x1xf32>,
    return
  }
  func.func @transform_0(%arg0: i32) -> (i32, i32, i32) {
    %c0_i32 = arith.constant 0 : i32
    %c0_i32_0 = arith.constant 0 : i32
    %c0_i32_1 = arith.constant 0 : i32
    return %c0_i32, %arg0, %c0_i32_0 : i32, i32, i32
  }
  func.func @transform_1(%arg0: i32) -> (i32, i32, i32) {
    %c0_i32 = arith.constant 0 : i32
    %c0_i32_0 = arith.constant 0 : i32
    %c0_i32_1 = arith.constant 0 : i32
    return %c0_i32, %c0_i32_0, %arg0 : i32, i32, i32
  }
  func.func @transform_2(%arg0: i32) -> (i32, i32) {
    %c0_i32 = arith.constant 0 : i32
    %c0_i32_0 = arith.constant 0 : i32
    %c0_i32_1 = arith.constant 0 : i32
    return %c0_i32, %c0_i32_0 : i32, i32
  }
  func.func @transform_3(%arg0: i32) -> i32 {
    %c0_i32 = arith.constant 0 : i32
    %c0_i32_0 = arith.constant 0 : i32
    return %c0_i32 : i32
  }
  func.func @transform_4(%arg0: i32) -> (i32, i32) {
    %c0_i32 = arith.constant 0 : i32
    %c0_i32_0 = arith.constant 0 : i32
    %c0_i32_1 = arith.constant 0 : i32
    return %c0_i32, %c0_i32_0 : i32, i32
  }
  func.func @transform_5(%arg0: i32) -> (i32, i32) {
    %c0_i32 = arith.constant 0 : i32
    %c0_i32_0 = arith.constant 0 : i32
    return %arg0, %c0_i32 : i32, i32
  }
  func.func @transform_6(%arg0: i32) -> (i32, i32) {
    %c0_i32 = arith.constant 0 : i32
    %c0_i32_0 = arith.constant 0 : i32
    return %arg0, %c0_i32 : i32, i32
  }
}

</mosaic_0001>

<sc_bundles>
// kernel: kernel.6.cloned.1.call-start
scs
__scs_entry_jumppad:
0x0: {  	(pc) =	sbr.rel $0x88, $3  }
0x1: {  	(tag) =	ssettag $0x0;
	lr =	simm.s32 $0x1  }
0x2: {  	[smem:$0x3F9C] =	sst lr;
	_ =	strace $0xD0000000  }
0x3: {  	_ = 	snop  }
0x4: {  	_ = 	snop  }
0x5: {  	_ = 	snop  }
0x6: {  	_ = 	snop  }
0x7: {  	_ = 	snop  }
__scs_overlays_trampoline_lowered:
0x8: {  	[smem:$0x3FAB] =	sst s0  }
0x9: {  	[smem:$0x3FAC] =	sst s1  }
0xa: {  	[smem:$0x3FAD] =	sst s2  }
0xb: {  	[smem:$0x3FAE] =	sst s3  }
0xc: {  	[smem:$0x3FAF] =	sst s4  }
0xd: {  	[smem:$0x3FB0] =	sst s5  }
0xe: {  	[smem:$0x3FB1] =	sst s6  }
0xf: {  	[smem:$0x3FB2] =	sst s7  }
0x10: {  	[smem:$0x3FB3] =	sst s8  }
0x11: {  	[smem:$0x3FB4] =	sst s9;
	s0 =	simm.s32 @!p0 $0x0  }
0x12: {  	s1 =	sld [smem:$0x3F9A];
	s0 =	simm.s32 @p0 $0x1  }
0x13: {  	[smem:$0x3FB5] =	sst s0;
	s0 =	simm.s32 @!p1 $0x0  }
0x14: {  	s2 =	sld [smem:$0x3F99];
	s0 =	simm.s32 @p1 $0x1  }
0x15: {  	[smem:$0x3FB6] =	sst s0;
	s0 =	simm.s32 @!p2 $0x0  }
0x16: {  	s3 =	sld [smem:$0x3FDB];
	s0 =	simm.s32 @p2 $0x1  }
0x17: {  	s4 =	simm.s32 $0x1BF5;
	[smem:$0x3FB8] =	sst s0  }
0x18: {  	s0 =	sld [smem:$0x3F9B];
	_ =	swait.ge [sflag:s4], $0x0  }
0x19: {  	s7 =	sld [smem:$0x3F9C]  }
0x1a: {  	s8 =	sadd.s32 $0xFFFFE003, lr  }
0x1b: {  	s9 =	sadd.s32 $0xFFFFFEF7, lr;
	s5 =	simm.s32 $0xFFFFFFFF;
	p2 =	slt.u32 s8, $0xFFFFF086  }
0x1c: {  	p1 =	slt.u32 s9, $0xF7A;
	s5 =	simm.s32 @!p2 $0x0  }
0x1d: {  	s5 =	simm.s32 @p1 $0x1;
	p0 =	seq.s32 s7, s2  }
0x1e: {  	s7 =	smul.u32 @!p0 $0xF7A, s2;
	p2 =	seq.s32 @!p0 s5, $0x0  }
0x1f: {  	s9 =	smul.u32 $0xF7A, s1;
	s8 =	simm.s32 @!p0 $0x1BF5;
	p2 =	por !p2, p0  }
0x20: {  	[sflag:s8] =	ssyncset.s32 @!p0 $0xFFFFF086;
	s6 =	sadd.s32 @!p0 s3, s7;
	s7 =	simm.s32 @!p0 $0x108  }
0x21: {  	s3 =	sadd.s32 s3, s9;
	s6 =	sadd.s32 @!p0 $0x88, s6;
	s7 =	simm.s32 @p2 $0x1082  }
0x22: {  	[simem:s7], [sflag:s8] =	dma.local @!p0 [hbm:s6], $0xF7A  }
0x23: {  	s9 =	sor.u32 $0xD0000000, s2;
	s6 =	simm.s32 $0x108;
	_ =	swait.ge @!p0 [sflag:s8], $0x0  }
0x24: {  	s3 =	sadd.s32 $0x88, s3;
	s6 =	simm.s32 @!p1 $0x1082;
	[sflag:s4] =	ssyncset.s32 $0xFFFFF086  }
0x25: {  	[simem:s6], [sflag:s4] =	dma.local [hbm:s3], $0xF7A  }
0x26: {  	[smem:$0x3F9C] =	sst s1;
	(tag) =	ssettag s2;
	_ =	strace s9  }
0x27: {  	s1 =	sld [smem:$0x3FAC]  }
0x28: {  	s2 =	sld [smem:$0x3FAD]  }
0x29: {  	s4 =	sld [smem:$0x3FAF]  }
0x2a: {  	p0 =	seq.s32 s5, $0x0;
	s5 =	sld [smem:$0x3FB0]  }
0x2b: {  	s6 =	sld [smem:$0x3FB1]  }
0x2c: {  	s7 =	sld [smem:$0x3FB2]  }
0x2d: {  	s3 =	simm.s32 $0x108;
	s8 =	sld [smem:$0x3FB3]  }
0x2e: {  	s3 =	simm.s32 @!p0 $0x1082;
	s9 =	sld [smem:$0x3FB4]  }
0x2f: {  	lr =	sadd.s32 s0, s3;
	s0 =	sld [smem:$0x3FAB]  }
0x30: {  	s3 =	sld [smem:$0x3FAE]  }
0x31: {  	[smem:$0x3FB7] =	sst s10  }
0x32: {  	s10 =	sld [smem:$0x3FB5];
	_ =	sdelay $0x3  }
0x33: {  	p0 =	seq.s32 s10, $0x1;
	s10 =	sld [smem:$0x3FB7];
	_ =	sdelay $0x3  }
0x34: {  	[smem:$0x3FB7] =	sst s10  }
0x35: {  	s10 =	sld [smem:$0x3FB6];
	_ =	sdelay $0x3  }
0x36: {  	p1 =	seq.s32 s10, $0x1;
	s10 =	sld [smem:$0x3FB7];
	_ =	sdelay $0x3  }
0x37: {  	[smem:$0x3FB7] =	sst s10  }
0x38: {  	s10 =	sld [smem:$0x3FB8]  }
0x39: {  	_ = 	snop;
	(pc) =	sbr.ind lr, $3  }
0x3a: {  	_ = 	snop  }
0x3b: {  	_ = 	snop  }
0x3c: {  	p2 =	seq.s32 s10, $0x1;
	s10 =	sld [smem:$0x3FB7]  }
0x3d: {  	_ =	shalt  }
0x3e: {  	_ =	shalt  }
0x3f: {  	_ =	shalt  }
0x40: {  	_ =	shalt  }
0x41: {  	_ =	shalt  }
0x42: {  	_ =	shalt  }
0x43: {  	_ =	shalt  }
0x44: {  	_ =	shalt  }
0x45: {  	_ =	shalt  }
0x46: {  	_ =	shalt  }
0x47: {  	_ =	shalt  }
0x48: {  	_ =	shalt  }
0x49: {  	_ =	shalt  }
0x4a: {  	_ =	shalt  }
0x4b: {  	_ =	shalt  }
0x4c: {  	_ =	shalt  }
0x4d: {  	_ =	shalt  }
0x4e: {  	_ =	shalt  }
0x4f: {  	_ =	shalt  }
0x50: {  	_ =	shalt  }
0x51: {  	_ =	shalt  }
0x52: {  	_ =	shalt  }
0x53: {  	_ =	shalt  }
0x54: {  	_ =	shalt  }
0x55: {  	_ =	shalt  }
0x56: {  	_ =	shalt  }
0x57: {  	_ =	shalt  }
0x58: {  	_ =	shalt  }
0x59: {  	_ =	shalt  }
0x5a: {  	_ =	shalt  }
0x5b: {  	_ =	shalt  }
0x5c: {  	_ =	shalt  }
0x5d: {  	_ =	shalt  }
0x5e: {  	_ =	shalt  }
0x5f: {  	_ =	shalt  }
0x60: {  	_ =	shalt  }
0x61: {  	_ =	shalt  }
0x62: {  	_ =	shalt  }
0x63: {  	_ =	shalt  }
0x64: {  	_ =	shalt  }
0x65: {  	_ =	shalt  }
0x66: {  	_ =	shalt  }
0x67: {  	_ =	shalt  }
0x68: {  	_ =	shalt  }
0x69: {  	_ =	shalt  }
0x6a: {  	_ =	shalt  }
0x6b: {  	_ =	shalt  }
0x6c: {  	_ =	shalt  }
0x6d: {  	_ =	shalt  }
0x6e: {  	_ =	shalt  }
0x6f: {  	_ =	shalt  }
0x70: {  	_ =	shalt  }
0x71: {  	_ =	shalt  }
0x72: {  	_ =	shalt  }
0x73: {  	_ =	shalt  }
0x74: {  	_ =	shalt  }
0x75: {  	_ =	shalt  }
0x76: {  	_ =	shalt  }
0x77: {  	_ =	shalt  }
0x78: {  	_ =	shalt  }
0x79: {  	_ =	shalt  }
0x7a: {  	_ =	shalt  }
0x7b: {  	_ =	shalt  }
0x7c: {  	_ =	shalt  }
0x7d: {  	_ =	shalt  }
0x7e: {  	_ =	shalt  }
0x7f: {  	_ =	shalt  }
0x80: {  	_ =	shalt  }
0x81: {  	_ =	shalt  }
0x82: {  	_ =	shalt  }
0x83: {  	_ =	shalt  }
0x84: {  	_ =	shalt  }
0x85: {  	_ =	shalt  }
0x86: {  	_ =	shalt  }
0x87: {  	_ =	shalt  }
.Lfunc_end0:
.L_simem_size_0:
called_computation_lowered:
.L_overlay_start_0:
0x88: {  	s2 =	sld [smem:$0x3FD9]  }
0x89: {  	s3 =	sld [smem:$0x3FFE];
	_ =	sdelay $0x1  }
0x8a: {  	s1 =	srdreg.scid  }
0x8b: {  	s0 =	sand.u32 $0x1, s1  }
0x8c: {  	s14 =	sshll.u32 s0, $0xA;
	s2 =	sadd.s32 s3, s2  }
0x8d: {  	s2 =	sadd.s32 s2, s14  }
0x8e: {  	[smem:$0x3FC3] =	sst s2  }
0x8f: {  	_ = 	snop  }
0x90: {  	s2 =	sld [smem:$0x3FD0];
	_ =	sdelay $0x2  }
0x91: {  	s15 =	simm.s32 $0xA;
	s4 =	simm.s32 $0x10  }
0x92: {  	[smem:s4], [sflag:s15] =	dma.local [hbm:s2], $0x1  }
0x93: {  	_ =	swait.eq [sflag:s15], $0x1  }
0x94: {  	[sflag:s15] =	ssyncset.done $0x0  }
0x95: {  	[sflag:s15] =	ssyncadd.s32 $0xFFFFFFFF  }
0x96: {  	s16 =	sld [smem:$0x11];
	(tm) =	ssettm $0x1  }
0x97: {  	s17 =	sld [smem:$0x3FFB];
	_ =	sdelay $0x3  }
0x98: {  	_ =	strace s17  }
0x99: {  	s3 =	sld [smem:$0x3FFC];
	_ =	sdelay $0x3  }
0x9a: {  	_ =	strace s3  }
0x9b: {  	s3 =	sld [smem:$0x3FFD];
	_ =	sdelay $0x3  }
0x9c: {  	_ =	strace s3  }
0x9d: {  	_ =	strace $0x8FFFFFFF  }
0x9e: {  	s18 =	sld [smem:$0x3FDB];
	_ =	sdelay $0x1  }
0x9f: {  	s19 =	simm.s32 $_scs_section_size  }
0xa0: {  	s5 =	simm.s32 $_size__tile_overlayer_lowered;
	s6 =	simm.s32 $_tile_overlayer_lowered  }
0xa1: {  	s22 =	simm.s32 $0x1BFF;
	s21 =	sshll.u32 s6, $0x1;
	s3 =	sadd.s32 s19, s18  }
0xa2: {  	s7 =	simm.s32 $0x0;
	s20 =	sshll.u32 s5, $0x1;
	s5 =	sadd.s32 s21, s3  }
0xa3: {  	[timem:s7], [sflag:s22] =	dma.local [hbm:s5], s20  }
0xa4: {  	_ =	swait.ge [sflag:s22], s20  }
0xa5: {  	s4 =	ssub.s32 $0x0, s20;
	[sflag:s22] =	ssyncset.done $0x0  }
0xa6: {  	[sflag:s22] =	ssyncadd.s32 s4;
	_ =	sdelay $0x1  }
0xa7: {  	s23 =	simm.s32 $0x1B8B  }
0xa8: {  	_ =	swait.ge [sflag:s23], $0x1  }
0xa9: {  	[sflag:s23] =	ssyncset.done $0x0  }
0xaa: {  	s25 =	simm.s32 $0x1B8E;
	s24 =	sld [smem:$0x3FFE];
	[sflag:s23] =	ssyncadd.s32 $0xFFFFFFFF  }
0xab: {  	s26 =	simm.s32 $execute0_lowered;
	[smem:$0x3FD2] =	sst s25  }
0xac: {  	s5 =	sshll.u32 s26, $0x1;
	_ =	strace $0x80000046;
	[dreg:$0x1] =	wrdreg $0xFFFFFFFF  }
0xad: {  	s28 =	simm.s32 $_size_execute0_lowered;
	s3 =	sadd.s32 s3, s5;
	[dreg:$0x0] =	wrdreg $0x0  }
0xae: {  	s5 =	sshll.u32 s28, $0x1;
	[dreg:$0x2] =	wrdreg s3  }
0xaf: {  	[dreg:$0x3] =	wrdreg s5  }
0xb0: {  	[dreg:$0x4] =	wrdreg $0xC0  }
0xb1: {  	_ =	task [dreg:s7], $0x5FFFF  }
0xb2: {  	[dreg:$0x1] =	wrdreg $0xFFFFFFFF  }
0xb3: {  	[dreg:$0x0] =	wrdreg $0x60  }
0xb4: {  	[dreg:$0x2] =	wrdreg s24  }
0xb5: {  	[dreg:$0x3] =	wrdreg s16  }
0xb6: {  	[dreg:$0x4] =	wrdreg $0x51800  }
0xb7: {  	[dreg:$0x5] =	wrdreg $0x54000  }
0xb8: {  	[dreg:$0x6] =	wrdreg $0x9  }
0xb9: {  	_ =	task.clear_ibuf [dreg:s7], $0x7FFFF;
	_ =	strace $0x90000046  }
0xba: {  	s29 =	simm.s32 $0x9;
	_ =	strace $0x80000048  }
0xbb: {  	_ =	swait.ge [sflag:s29], $0x1  }
0xbc: {  	[sflag:s29] =	ssyncadd.s32 $0xFFFFFFFF  }
0xbd: {  	_ =	strace $0x90000048  }
0xbe: {  	_ =	sfence  }
0xbf: {  	s30 =	sld [smem:$0x0];
	_ =	sdelay $0x2  }
0xc0: {  	s31 =	sshll.u32 s1, $0xD;
	s1 =	sshrl.u32 s1, $0x2  }
0xc1: {  	s3 =	sand.u32 $0x4000, s31;
	s1 =	sadd.s32 s1, s30  }
0xc2: {  	s0 =	sor.u32 s3, s0;
	s1 =	sshll.u32 s1, $0x11  }
0xc3: {  	s0 =	sor.u32 s1, s0  }
0xc4: {  	s0 =	sadd.s32 $0x8F2B, s0  }
0xc5: {  	[sflag:s0] =	ssyncadd.remote.s32 $0x1  }
0xc6: {  	_ =	sfence.sel $0xFFFF  }
0xc7: {  	[dreg:$0x0] =	wrdreg $0xFFFFFFFF;
	(pc) =	sbr.abs _section_cstart, $3  }
0xc8: {  	[dreg:$0x1] =	wrdreg $0xFFFFFFFF  }
0xc9: {  	_ =	task.clear_ibuf [dreg:s7], $0x2FFFF;
	_ =	strace $0x9FFFFFFF  }
0xca: {  	(tm) =	ssettm $0x7FFFFFFF  }
0xcb: {  	_ =	shalt  }
tec
execute0_lowered:
.L_overlay_start_1:
0x0: {  	(tag) =	ssettag $0x1  }
0x1: {  	s5 =	rddreg [dreg:$0x0]  }
0x2: {  	s9 =	rddreg [dreg:$0x1]  }
0x3: {  	s2 =	rddreg [dreg:$0x2]  }
0x4: {  	s0 =	srdreg.scid;
	s3 =	rddreg [dreg:$0x3];
	s4 =	simm.s32 $0x0  }
0x5: {  	s18 =	simm.s32 $0x5000;
	s19 =	simm.s32 $0x5080;
	s20 =	simm.s32 $0x80  }
0x6: {  	s21 =	simm.s32 $0x5100;
	s22 =	simm.s32 $0x1;
	s23 =	simm.s32 $0x2  }
0x7: {  	s24 =	simm.s32 $0x10;
	s6 =	sand.u32 $0x1, s0;
	s0 =	stileid.u32  }
0x8: {  	s25 =	simm.s32 $0x20;
	s26 =	simm.s32 $0x0;
	s11 =	smul.u32 $0x280, s0  }
0x9: {  	[smem:$0x7FF] =	sst s4;
	s1 =	sshll.u32 s6, $0x4;
	s12 =	smul.u32 $0x5000, s6  }
0xa: {  	s10 =	sshll.u32 s0, $0x4;
	s28 =	smul.u32 $0x500, s0;
	s6 =	ssub.s32 $0x2, s6  }
0xb: {  	s31 =	sshll.u32 s0, $0x6;
	s7 =	sor.u32 s0, s1;
	s1 =	rddreg [dreg:$0x4]  }
0xc: {  	s10 =	sand.u32 $0x70, s10;
	_ =	strace $0x80000047;
	s30 =	sshrl.u32 s6, $0x1  }
0xd: {  	s8 =	smul.u32 $0x500, s7;
	s7 =	sshll.u32 s7, $0x4;
	s14 =	sshrl.u32 s11, $0x3  }
0xe: {  	s16 =	sadd.s32 s11, s2;
	s17 =	sadd.s32 s11, s3;
	s7 =	sand.u32 $0x180, s7  }
0xf: {  	s29 =	sadd.s32 s14, s5;
	s14 =	ssub.s32 s6, s30;
	s6 =	sor.u32 $0x1C03, s31  }
0x10: {  	s10 =	sor.u32 s10, s7;
	s8 =	sadd.s32 s8, s5;
	s7 =	sadd.s32 s28, s12  }
0x11: {  	s13 =	sadd.s32 s10, s5;
	s7 =	sshrl.u32 s7, $0x3;
	s9 =	sadd.s32 s9, s10  }
0x12: {  	s15 =	sadd.s32 s7, s5;
	s5 =	sadd.s32 $0x15800, s29;
	s7 =	sadd.s32 $0x1800, s8  }
0x13: {  	s8 =	sadd.s32 $0xB800, s8;
	s10 =	sadd.s32 $0x1600, s13;
	s13 =	smax.u32 s14, $0x1  }
0x14: {  	s14 =	sshrl.u32 s16, $0x3;
	s16 =	sshrl.u32 s17, $0x3;
	s17 =	simm.s32 $0x2800  }
0x15: {  	v0 =	vimm.f32 $1.000000000e+00;
	s11 =	sadd.s32 $0x15E00, s15;
	s12 =	sadd.s32 $0x15E10, s15;
	s15 =	simm.s32 $0x3  }
.LBB2_1:
0x16: {  	[tilespmem:$0x5100] =	vst v0  }
0x17: {  	[tilespmem:$0x5110] =	vst v0  }
0x18: {  	[tilespmem:$0x5120] =	vst v0  }
0x19: {  	[tilespmem:$0x5130] =	vst v0  }
0x1a: {  	[tilespmem:$0x5140] =	vst v0  }
0x1b: {  	[tilespmem:$0x5150] =	vst v0  }
0x1c: {  	[tilespmem:$0x5160] =	vst v0  }
0x1d: {  	[tilespmem:$0x5170] =	vst v0  }
0x1e: {  	[spmem:s14], [sflag:s6] =	dma.local [hbm:s5], $0x50  }
0x1f: {  	_ =	swait.ge [sflag:s15], $0x50  }
0x20: {  	[sflag:s15] =	ssyncset.done $0x0  }
0x21: {  	[sflag:s15] =	ssyncadd.s32 $0xFFFFFFB0  }
0x22: {  	[spmem:s16], [sflag:s6] =	dma.local [hbm:s5], $0x50  }
0x23: {  	_ =	swait.ge [sflag:s15], $0x50  }
0x24: {  	[sflag:s15] =	ssyncset.done $0x0  }
0x25: {  	[sflag:s15] =	ssyncadd.s32 $0xFFFFFFB0  }
0x26: {  	[tilespmem:s4], [sflag:$0x3] =	stream.linear.gather [hbm4b:s7+s4], $0x2700, $0x38;
	[tilespmem:$0x5680] =	vst v63  }
0x27: {  	_ =	swait.ge [sflag:s15], $0x2700  }
0x28: {  	[sflag:s15] =	ssyncset.done $0x0  }
0x29: {  	[sflag:s15] =	ssyncadd.s32 $0xFFFFD900  }
0x2a: {  	[tilespmem:s17], [sflag:$0x3] =	stream.linear.gather [hbm4b:s8+s4], $0x2700, $0x38;
	[tilespmem:$0x5680] =	vst v63  }
0x2b: {  	_ =	swait.ge [sflag:s15], $0x2700  }
0x2c: {  	[sflag:s15] =	ssyncset.done $0x0  }
0x2d: {  	[sflag:s15] =	ssyncadd.s32 $0xFFFFD900  }
0x2e: {  	[tilespmem:s18], [sflag:$0x3] =	stream.linear.gather [hbm4b:s9+s4], $0x80, $0x38;
	[tilespmem:$0x5680] =	vst v63  }
0x2f: {  	_ =	swait.ge [sflag:s15], $0x80  }
0x30: {  	[sflag:s15] =	ssyncset.done $0x0  }
0x31: {  	[sflag:s15] =	ssyncadd.s32 $0xFFFFFF80  }
0x32: {  	[tilespmem:s19], [sflag:$0x3] =	stream.linear.gather [hbm4b:s10+s4], $0x80, $0x38;
	[tilespmem:$0x5680] =	vst v63  }
0x33: {  	_ =	swait.ge [sflag:s15], $0x80  }
0x34: {  	[sflag:s15] =	ssyncset.done $0x0  }
0x35: {  	[sflag:s15] =	ssyncadd.s32 $0xFFFFFF80  }
0x36: {  	s28 =	simm.s32 $0x0;
	[bflag:$0x0] =	sbarrier.arrive $0xFFFF  }
0x37: {  	[spmem:s2] =	stream.indirect.scatter.add.f32 [tilespmem:s21], [sflag:$0x1], $0x1, s28, s20, $0xb8;
	[tilespmem:$0x5680] =	vst v63  }
0x38: {  	s28 =	simm.s32 $0x2800  }
0x39: {  	[spmem:s3] =	stream.indirect.scatter.add.f32 [tilespmem:s21], [sflag:$0x2], $0x1, s28, s20, $0xb8;
	[tilespmem:$0x5680] =	vst v63  }
0x3a: {  	_ =	swait.ge [sflag:s22], $0x80  }
0x3b: {  	[sflag:s22] =	ssyncset.done $0x0  }
0x3c: {  	[sflag:s22] =	ssyncadd.s32 $0xFFFFFF80  }
0x3d: {  	_ =	swait.ge [sflag:s23], $0x80  }
0x3e: {  	s29 =	simm.s32 $0x400;
	s28 =	simm.s32 $0x200;
	[sflag:s23] =	ssyncset.done $0x0  }
.LBB2_2:
0x3f: {  	s30 =	sshra.s32 s28, $0x2  }
0x40: {  	[sflag:s23] =	ssyncadd.s32 $0xFFFFFF80;
	s28 =	smov.u32 s29;
	s31 =	sadd.s32 $0x200, s29  }
0x41: {  	[spmem:s2] =	stream.indirect.scatter.add.f32 [tilespmem:s21], [sflag:$0x1], $0x1, s30, s20, $0xb8;
	[tilespmem:$0x5680] =	vst v63  }
0x42: {  	p0 =	sne.s32 s29, $0x9A00;
	s29 =	sadd.s32 $0x2800, s30  }
0x43: {  	[spmem:s3] =	stream.indirect.scatter.add.f32 [tilespmem:s21], [sflag:$0x2], $0x1, s29, s20, $0xb8;
	[tilespmem:$0x5680] =	vst v63  }
.Ltmp0:
0x44: {  	_ =	swait.ge [sflag:s22], $0x80;
	(pc) =	sbr.rel @p0 .LBB2_2-.Ltmp0, $4  }
0x45: {  	[sflag:s22] =	ssyncset.done $0x0  }
0x46: {  	[sflag:s22] =	ssyncadd.s32 $0xFFFFFF80  }
0x47: {  	_ =	swait.ge [sflag:s23], $0x80  }
0x48: {  	s29 =	smov.u32 s31;
	[sflag:s23] =	ssyncset.done $0x0  }
0x49: {  	s28 =	sshra.s32 s28, $0x2;
	[sflag:s23] =	ssyncadd.s32 $0xFFFFFF80  }
0x4a: {  	[spmem:s2] =	stream.indirect.scatter.add.f32 [tilespmem:s21], [sflag:$0x1], $0x1, s28, s20, $0xb8;
	[tilespmem:$0x5680] =	vst v63  }
0x4b: {  	s28 =	sadd.s32 $0x2800, s28  }
0x4c: {  	[spmem:s3] =	stream.indirect.scatter.add.f32 [tilespmem:s21], [sflag:$0x2], $0x1, s28, s20, $0xb8;
	[tilespmem:$0x5680] =	vst v63  }
0x4d: {  	_ =	swait.ge [sflag:s22], $0x80  }
0x4e: {  	[sflag:s22] =	ssyncset.done $0x0  }
0x4f: {  	[sflag:s22] =	ssyncadd.s32 $0xFFFFFF80  }
0x50: {  	_ =	swait.ge [sflag:s23], $0x80  }
0x51: {  	[sflag:s23] =	ssyncset.done $0x0  }
0x52: {  	[sflag:s23] =	ssyncadd.s32 $0xFFFFFF80  }
0x53: {  	[spmem:s2] =	stream.indirect.scatter.add.f32 [tilespmem:s21], [sflag:$0x1], $0x1, s18, s24, $0xb8;
	[tilespmem:$0x5680] =	vst v63  }
0x54: {  	_ = 	snop  }
0x55: {  	[spmem:s3] =	stream.indirect.scatter.add.f32 [tilespmem:s21], [sflag:$0x2], $0x1, s19, s24, $0xb8;
	[tilespmem:$0x5680] =	vst v63  }
0x56: {  	_ =	swait.ge [sflag:s22], $0x10  }
0x57: {  	[sflag:s22] =	ssyncset.done $0x0  }
0x58: {  	[sflag:s22] =	ssyncadd.s32 $0xFFFFFFF0  }
0x59: {  	_ =	swait.ge [sflag:s23], $0x10  }
0x5a: {  	[sflag:s23] =	ssyncset.done $0x0  }
0x5b: {  	[sflag:s23] =	ssyncadd.s32 $0xFFFFFFF0  }
0x5c: {  	[bflag:$0x0] =	sbarrier.arrive $0xFFFF  }
0x5d: {  	[hbm:s11@s25], [sflag:s6] =	dma.strided [spmem:s14@s24], $0x50, s22, $0x10   }
0x5e: {  	s26 =	sadd.s32 $0x1, s26;
	_ =	swait.ge [sflag:s15], $0x50  }
0x5f: {  	p0 =	sne.s32 s26, s13;
	[sflag:s15] =	ssyncset.done $0x0  }
.Ltmp1:
0x60: {  	[sflag:s15] =	ssyncadd.s32 $0xFFFFFFB0;
	(pc) =	sbr.rel @p0 .LBB2_1-.Ltmp1, $4  }
0x61: {  	[hbm:s12@s25], [sflag:s6] =	dma.strided [spmem:s16@s24], $0x50, s22, $0x10   }
0x62: {  	_ =	swait.ge [sflag:s15], $0x50  }
0x63: {  	[sflag:s15] =	ssyncset.done $0x0  }
0x64: {  	[sflag:s15] =	ssyncadd.s32 $0xFFFFFFB0  }
0x65: {  	_ =	sfence.sel $0x180000  }
0x66: {  	[bflag:$0x0] =	sbarrier.arrive $0xFFFF  }
0x67: {  	p0 =	sne.s32 s0, $0x0;
	_ =	strace $0x90000047  }
0x68: {  	s0 =	sadd.s32 @!p0 $0x100000, s1;
	[bflag:$0x2] =	sbarrier.arrive $0xFFFF  }
0x69: {  	[sflag:s0] =	ssyncadd.tile.s32 @!p0 $0x1;
	_ =	shalt  }
.Lfunc_end2:
_tile_overlayer_lowered:
.L_overlay_start_2:
0x6a: {  	(tag) =	ssettag $0x2  }
0x6b: {  	s0 =	rddreg [dreg:$0x0];
	s2 =	stileid.u32  }
0x6c: {  	s1 =	rddreg [dreg:$0x1];
	p0 =	sne.s32 s2, $0x0  }
0x6d: {  	s3 =	rddreg [dreg:$0x2];
	[bflag:$0x3] =	sbarrier.arrive $0xFFFF;
	s2 =	simm.s32 @!p0 $0x1C03  }
0x6e: {  	[timem:s3], [sflag:s2] =	dma.local @!p0 [hbm:s0], s1  }
0x6f: {  	s0 =	simm.s32 @!p0 $0x3  }
0x70: {  	_ =	swait.ge @!p0 [sflag:s0], s1  }
0x71: {  	s1 =	ssub.s32 @!p0 $0x0, s1;
	[sflag:s0] =	ssyncset.done @!p0 $0x0  }
0x72: {  	[sflag:s0] =	ssyncadd.s32 @!p0 s1  }
0x73: {  	[bflag:$0x3] =	sbarrier.arrive $0xFFFF  }
0x74: {  	_ =	shalt  }

// kernel: kernel.9.cloned.1.call-start
scs
__scs_entry_jumppad:
0x0: {  	(pc) =	sbr.rel $0x88, $3  }
0x1: {  	(tag) =	ssettag $0x0;
	lr =	simm.s32 $0x1  }
0x2: {  	[smem:$0x3F9C] =	sst lr;
	_ =	strace $0xD0000000  }
0x3: {  	_ = 	snop  }
0x4: {  	_ = 	snop  }
0x5: {  	_ = 	snop  }
0x6: {  	_ = 	snop  }
0x7: {  	_ = 	snop  }
__scs_overlays_trampoline_lowered:
0x8: {  	[smem:$0x3FAB] =	sst s0  }
0x9: {  	[smem:$0x3FAC] =	sst s1  }
0xa: {  	[smem:$0x3FAD] =	sst s2  }
0xb: {  	[smem:$0x3FAE] =	sst s3  }
0xc: {  	[smem:$0x3FAF] =	sst s4  }
0xd: {  	[smem:$0x3FB0] =	sst s5  }
0xe: {  	[smem:$0x3FB1] =	sst s6  }
0xf: {  	[smem:$0x3FB2] =	sst s7  }
0x10: {  	[smem:$0x3FB3] =	sst s8  }
0x11: {  	[smem:$0x3FB4] =	sst s9;
	s0 =	simm.s32 @!p0 $0x0  }
0x12: {  	s1 =	sld [smem:$0x3F9A];
	s0 =	simm.s32 @p0 $0x1  }
0x13: {  	[smem:$0x3FB5] =	sst s0;
	s0 =	simm.s32 @!p1 $0x0  }
0x14: {  	s2 =	sld [smem:$0x3F99];
	s0 =	simm.s32 @p1 $0x1  }
0x15: {  	[smem:$0x3FB6] =	sst s0;
	s0 =	simm.s32 @!p2 $0x0  }
0x16: {  	s3 =	sld [smem:$0x3FDB];
	s0 =	simm.s32 @p2 $0x1  }
0x17: {  	s4 =	simm.s32 $0x1BF5;
	[smem:$0x3FB8] =	sst s0  }
0x18: {  	s0 =	sld [smem:$0x3F9B];
	_ =	swait.ge [sflag:s4], $0x0  }
0x19: {  	s7 =	sld [smem:$0x3F9C]  }
0x1a: {  	s8 =	sadd.s32 $0xFFFFE003, lr  }
0x1b: {  	s9 =	sadd.s32 $0xFFFFFEF7, lr;
	s5 =	simm.s32 $0xFFFFFFFF;
	p2 =	slt.u32 s8, $0xFFFFF086  }
0x1c: {  	p1 =	slt.u32 s9, $0xF7A;
	s5 =	simm.s32 @!p2 $0x0  }
0x1d: {  	s5 =	simm.s32 @p1 $0x1;
	p0 =	seq.s32 s7, s2  }
0x1e: {  	s7 =	smul.u32 @!p0 $0xF7A, s2;
	p2 =	seq.s32 @!p0 s5, $0x0  }
0x1f: {  	s9 =	smul.u32 $0xF7A, s1;
	s8 =	simm.s32 @!p0 $0x1BF5;
	p2 =	por !p2, p0  }
0x20: {  	[sflag:s8] =	ssyncset.s32 @!p0 $0xFFFFF086;
	s6 =	sadd.s32 @!p0 s3, s7;
	s7 =	simm.s32 @!p0 $0x108  }
0x21: {  	s3 =	sadd.s32 s3, s9;
	s6 =	sadd.s32 @!p0 $0x88, s6;
	s7 =	simm.s32 @p2 $0x1082  }
0x22: {  	[simem:s7], [sflag:s8] =	dma.local @!p0 [hbm:s6], $0xF7A  }
0x23: {  	s9 =	sor.u32 $0xD0000000, s2;
	s6 =	simm.s32 $0x108;
	_ =	swait.ge @!p0 [sflag:s8], $0x0  }
0x24: {  	s3 =	sadd.s32 $0x88, s3;
	s6 =	simm.s32 @!p1 $0x1082;
	[sflag:s4] =	ssyncset.s32 $0xFFFFF086  }
0x25: {  	[simem:s6], [sflag:s4] =	dma.local [hbm:s3], $0xF7A  }
0x26: {  	[smem:$0x3F9C] =	sst s1;
	(tag) =	ssettag s2;
	_ =	strace s9  }
0x27: {  	s1 =	sld [smem:$0x3FAC]  }
0x28: {  	s2 =	sld [smem:$0x3FAD]  }
0x29: {  	s4 =	sld [smem:$0x3FAF]  }
0x2a: {  	p0 =	seq.s32 s5, $0x0;
	s5 =	sld [smem:$0x3FB0]  }
0x2b: {  	s6 =	sld [smem:$0x3FB1]  }
0x2c: {  	s7 =	sld [smem:$0x3FB2]  }
0x2d: {  	s3 =	simm.s32 $0x108;
	s8 =	sld [smem:$0x3FB3]  }
0x2e: {  	s3 =	simm.s32 @!p0 $0x1082;
	s9 =	sld [smem:$0x3FB4]  }
0x2f: {  	lr =	sadd.s32 s0, s3;
	s0 =	sld [smem:$0x3FAB]  }
0x30: {  	s3 =	sld [smem:$0x3FAE]  }
0x31: {  	[smem:$0x3FB7] =	sst s10  }
0x32: {  	s10 =	sld [smem:$0x3FB5];
	_ =	sdelay $0x3  }
0x33: {  	p0 =	seq.s32 s10, $0x1;
	s10 =	sld [smem:$0x3FB7];
	_ =	sdelay $0x3  }
0x34: {  	[smem:$0x3FB7] =	sst s10  }
0x35: {  	s10 =	sld [smem:$0x3FB6];
	_ =	sdelay $0x3  }
0x36: {  	p1 =	seq.s32 s10, $0x1;
	s10 =	sld [smem:$0x3FB7];
	_ =	sdelay $0x3  }
0x37: {  	[smem:$0x3FB7] =	sst s10  }
0x38: {  	s10 =	sld [smem:$0x3FB8]  }
0x39: {  	_ = 	snop;
	(pc) =	sbr.ind lr, $3  }
0x3a: {  	_ = 	snop  }
0x3b: {  	_ = 	snop  }
0x3c: {  	p2 =	seq.s32 s10, $0x1;
	s10 =	sld [smem:$0x3FB7]  }
0x3d: {  	_ =	shalt  }
0x3e: {  	_ =	shalt  }
0x3f: {  	_ =	shalt  }
0x40: {  	_ =	shalt  }
0x41: {  	_ =	shalt  }
0x42: {  	_ =	shalt  }
0x43: {  	_ =	shalt  }
0x44: {  	_ =	shalt  }
0x45: {  	_ =	shalt  }
0x46: {  	_ =	shalt  }
0x47: {  	_ =	shalt  }
0x48: {  	_ =	shalt  }
0x49: {  	_ =	shalt  }
0x4a: {  	_ =	shalt  }
0x4b: {  	_ =	shalt  }
0x4c: {  	_ =	shalt  }
0x4d: {  	_ =	shalt  }
0x4e: {  	_ =	shalt  }
0x4f: {  	_ =	shalt  }
0x50: {  	_ =	shalt  }
0x51: {  	_ =	shalt  }
0x52: {  	_ =	shalt  }
0x53: {  	_ =	shalt  }
0x54: {  	_ =	shalt  }
0x55: {  	_ =	shalt  }
0x56: {  	_ =	shalt  }
0x57: {  	_ =	shalt  }
0x58: {  	_ =	shalt  }
0x59: {  	_ =	shalt  }
0x5a: {  	_ =	shalt  }
0x5b: {  	_ =	shalt  }
0x5c: {  	_ =	shalt  }
0x5d: {  	_ =	shalt  }
0x5e: {  	_ =	shalt  }
0x5f: {  	_ =	shalt  }
0x60: {  	_ =	shalt  }
0x61: {  	_ =	shalt  }
0x62: {  	_ =	shalt  }
0x63: {  	_ =	shalt  }
0x64: {  	_ =	shalt  }
0x65: {  	_ =	shalt  }
0x66: {  	_ =	shalt  }
0x67: {  	_ =	shalt  }
0x68: {  	_ =	shalt  }
0x69: {  	_ =	shalt  }
0x6a: {  	_ =	shalt  }
0x6b: {  	_ =	shalt  }
0x6c: {  	_ =	shalt  }
0x6d: {  	_ =	shalt  }
0x6e: {  	_ =	shalt  }
0x6f: {  	_ =	shalt  }
0x70: {  	_ =	shalt  }
0x71: {  	_ =	shalt  }
0x72: {  	_ =	shalt  }
0x73: {  	_ =	shalt  }
0x74: {  	_ =	shalt  }
0x75: {  	_ =	shalt  }
0x76: {  	_ =	shalt  }
0x77: {  	_ =	shalt  }
0x78: {  	_ =	shalt  }
0x79: {  	_ =	shalt  }
0x7a: {  	_ =	shalt  }
0x7b: {  	_ =	shalt  }
0x7c: {  	_ =	shalt  }
0x7d: {  	_ =	shalt  }
0x7e: {  	_ =	shalt  }
0x7f: {  	_ =	shalt  }
0x80: {  	_ =	shalt  }
0x81: {  	_ =	shalt  }
0x82: {  	_ =	shalt  }
0x83: {  	_ =	shalt  }
0x84: {  	_ =	shalt  }
0x85: {  	_ =	shalt  }
0x86: {  	_ =	shalt  }
0x87: {  	_ =	shalt  }
.Lfunc_end0:
.L_simem_size_0:
called_computation.1_lowered:
.L_overlay_start_0:
0x88: {  	s2 =	sld [smem:$0x3FD9]  }
0x89: {  	s3 =	sld [smem:$0x3FFE];
	_ =	sdelay $0x1  }
0x8a: {  	s1 =	srdreg.scid  }
0x8b: {  	s0 =	sand.u32 $0x1, s1  }
0x8c: {  	s14 =	sshll.u32 s0, $0xA;
	s2 =	sadd.s32 s3, s2  }
0x8d: {  	s2 =	sadd.s32 s2, s14  }
0x8e: {  	[smem:$0x3FC3] =	sst s2  }
0x8f: {  	_ = 	snop  }
0x90: {  	s2 =	sld [smem:$0x3FD0];
	_ =	sdelay $0x2  }
0x91: {  	s15 =	simm.s32 $0xA;
	s4 =	simm.s32 $0x10  }
0x92: {  	[smem:s4], [sflag:s15] =	dma.local [hbm:s2], $0x1  }
0x93: {  	_ =	swait.eq [sflag:s15], $0x1  }
0x94: {  	[sflag:s15] =	ssyncset.done $0x0  }
0x95: {  	s16 =	sld [smem:$0x10];
	[sflag:s15] =	ssyncadd.s32 $0xFFFFFFFF  }
0x96: {  	s17 =	sld [smem:$0x11];
	(tm) =	ssettm $0x1  }
0x97: {  	s18 =	sld [smem:$0x3FFB];
	_ =	sdelay $0x3  }
0x98: {  	_ =	strace s18  }
0x99: {  	s4 =	sld [smem:$0x3FFC];
	_ =	sdelay $0x3  }
0x9a: {  	_ =	strace s4  }
0x9b: {  	s4 =	sld [smem:$0x3FFD];
	_ =	sdelay $0x3  }
0x9c: {  	_ =	strace s4  }
0x9d: {  	_ =	strace $0x8FFFFFFF  }
0x9e: {  	s19 =	sld [smem:$0x3FDB];
	_ =	sdelay $0x1  }
0x9f: {  	s5 =	simm.s32 $_scs_section_size  }
0xa0: {  	s6 =	simm.s32 $_size__tile_overlayer_lowered;
	s7 =	simm.s32 $_tile_overlayer_lowered  }
0xa1: {  	s22 =	simm.s32 $0x1BFF;
	s21 =	sshll.u32 s7, $0x1;
	s4 =	sadd.s32 s5, s19  }
0xa2: {  	s8 =	simm.s32 $0x0;
	s20 =	sshll.u32 s6, $0x1;
	s6 =	sadd.s32 s21, s4  }
0xa3: {  	[timem:s8], [sflag:s22] =	dma.local [hbm:s6], s20  }
0xa4: {  	_ =	swait.ge [sflag:s22], s20  }
0xa5: {  	s5 =	ssub.s32 $0x0, s20;
	[sflag:s22] =	ssyncset.done $0x0  }
0xa6: {  	[sflag:s22] =	ssyncadd.s32 s5;
	_ =	sdelay $0x1  }
0xa7: {  	s23 =	simm.s32 $0x1B8B  }
0xa8: {  	_ =	swait.ge [sflag:s23], $0x1  }
0xa9: {  	[sflag:s23] =	ssyncset.done $0x0  }
0xaa: {  	s25 =	simm.s32 $0x1B8E;
	s24 =	sld [smem:$0x3FFE];
	[sflag:s23] =	ssyncadd.s32 $0xFFFFFFFF  }
0xab: {  	s26 =	simm.s32 $execute0_lowered;
	[smem:$0x3FD2] =	sst s25  }
0xac: {  	s6 =	sshll.u32 s26, $0x1;
	_ =	strace $0x80000049;
	[dreg:$0x1] =	wrdreg $0xFFFFFFFF  }
0xad: {  	s28 =	simm.s32 $_size_execute0_lowered;
	s4 =	sadd.s32 s4, s6;
	[dreg:$0x0] =	wrdreg $0x0  }
0xae: {  	s6 =	sshll.u32 s28, $0x1;
	[dreg:$0x2] =	wrdreg s4  }
0xaf: {  	[dreg:$0x3] =	wrdreg s6  }
0xb0: {  	[dreg:$0x4] =	wrdreg $0xC0  }
0xb1: {  	_ =	task [dreg:s8], $0x5FFFF  }
0xb2: {  	[dreg:$0x1] =	wrdreg $0xFFFFFFFF  }
0xb3: {  	[dreg:$0x0] =	wrdreg $0x60  }
0xb4: {  	[dreg:$0x2] =	wrdreg s24  }
0xb5: {  	[dreg:$0x3] =	wrdreg s16  }
0xb6: {  	[dreg:$0x4] =	wrdreg s17  }
0xb7: {  	[dreg:$0x5] =	wrdreg $0xA1000  }
0xb8: {  	[dreg:$0x6] =	wrdreg $0x9  }
0xb9: {  	_ =	task.clear_ibuf [dreg:s8], $0x7FFFF;
	_ =	strace $0x90000049  }
0xba: {  	s29 =	simm.s32 $0x9;
	_ =	strace $0x8000004B  }
0xbb: {  	_ =	swait.ge [sflag:s29], $0x1  }
0xbc: {  	[sflag:s29] =	ssyncadd.s32 $0xFFFFFFFF  }
0xbd: {  	_ =	strace $0x9000004B  }
0xbe: {  	_ =	sfence  }
0xbf: {  	s30 =	sld [smem:$0x0];
	_ =	sdelay $0x2  }
0xc0: {  	s31 =	sshll.u32 s1, $0xD;
	s1 =	sshrl.u32 s1, $0x2  }
0xc1: {  	s3 =	sand.u32 $0x4000, s31;
	s1 =	sadd.s32 s1, s30  }
0xc2: {  	s0 =	sor.u32 s3, s0;
	s1 =	sshll.u32 s1, $0x11  }
0xc3: {  	s0 =	sor.u32 s1, s0  }
0xc4: {  	s0 =	sadd.s32 $0x8F2B, s0  }
0xc5: {  	[sflag:s0] =	ssyncadd.remote.s32 $0x1  }
0xc6: {  	_ =	sfence.sel $0xFFFF  }
0xc7: {  	[dreg:$0x0] =	wrdreg $0xFFFFFFFF;
	(pc) =	sbr.abs _section_cstart, $3  }
0xc8: {  	[dreg:$0x1] =	wrdreg $0xFFFFFFFF  }
0xc9: {  	_ =	task.clear_ibuf [dreg:s8], $0x2FFFF;
	_ =	strace $0x9FFFFFFF  }
0xca: {  	(tm) =	ssettm $0x7FFFFFFF  }
0xcb: {  	_ =	shalt  }
tec
execute0_lowered:
.L_overlay_start_1:
0x0: {  	(tag) =	ssettag $0x1  }
0x1: {  	s0 =	rddreg [dreg:$0x0]  }
0x2: {  	s1 =	rddreg [dreg:$0x1]  }
0x3: {  	s3 =	rddreg [dreg:$0x2]  }
0x4: {  	s2 =	rddreg [dreg:$0x3];
	s5 =	srdreg.scid;
	s4 =	simm.s32 $0x0  }
0x5: {  	s14 =	stileid.u32;
	s15 =	simm.s32 $0x5;
	s20 =	simm.s32 $0x2000  }
0x6: {  	s21 =	simm.s32 $0x2080;
	s28 =	simm.s32 $0x2;
	s29 =	simm.s32 $0x3  }
0x7: {  	s30 =	simm.s32 $0x100;
	s31 =	simm.s32 $0x1080;
	s8 =	sand.u32 $0x1, s5  }
0x8: {  	[smem:$0x7FF] =	sst s4;
	s6 =	sshll.u32 s14, $0x4;
	s12 =	smul.u32 $0x14000, s14  }
0x9: {  	s13 =	smul.u32 $0x50000, s14;
	s23 =	sshll.u32 s14, $0x6;
	s5 =	sshll.u32 s8, $0x4  }
0xa: {  	_ =	strace $0x8000004A;
	s7 =	smul.u32 $0x140000, s8;
	s11 =	sand.u32 $0x70, s6  }
0xb: {  	s6 =	sadd.s32 $0x17200, s0;
	s8 =	ssub.s32 $0x2, s8;
	s9 =	sor.u32 s14, s5  }
0xc: {  	s22 =	sshrl.u32 s8, $0x1;
	s13 =	sshrl.u32 s13, $0x2;
	s5 =	sshll.u32 s9, $0x4  }
0xd: {  	s12 =	sadd.s32 s12, s7;
	s7 =	sadd.s32 $0x1800, s0;
	s13 =	sadd.s32 s13, s2  }
0xe: {  	s10 =	sand.u32 $0x180, s5;
	s5 =	sadd.s32 $0x23200, s0;
	s12 =	sshrl.u32 s12, $0x3  }
0xf: {  	s16 =	sadd.s32 $0x4000, s13;
	s17 =	sadd.s32 $0x8000, s13;
	s18 =	sadd.s32 $0xC000, s13  }
0x10: {  	s19 =	sadd.s32 $0x10000, s13;
	s14 =	sshrl.u32 s13, $0x3;
	s10 =	sor.u32 s11, s10  }
0x11: {  	s26 =	sshrl.u32 s16, $0x3;
	s17 =	sshrl.u32 s17, $0x3;
	s18 =	sshrl.u32 s18, $0x3  }
0x12: {  	s19 =	sshrl.u32 s19, $0x3;
	s11 =	sadd.s32 s10, s0;
	s0 =	sadd.s32 s12, s0  }
0x13: {  	s12 =	ssub.s32 s8, s22;
	s8 =	sor.u32 $0x1C05, s23;
	s3 =	sadd.s32 s3, s10  }
0x14: {  	[dreg:$0x9] =	wrdreg s26;
	s22 =	simm.s32 $0x1000;
	s23 =	simm.s32 $0x80  }
.Ltmp0:
0x15: {  	[dreg:$0x5] =	wrdreg s3;
	s24 =	sadd.s32 $0x1600, s11;
	(pc) =	sbr.rel .LBB2_1-.Ltmp0, $4  }
0x16: {  	s26 =	simm.s32 $0x6100;
	s0 =	sadd.s32 $0x4B200, s0;
	[dreg:$0x6] =	wrdreg s24  }
0x17: {  	s11 =	smul.u32 $0x3000, s9;
	s25 =	smax.u32 s12, $0x1;
	[dreg:$0x7] =	wrdreg s0  }
0x18: {  	s3 =	simm.s32 $0x10;
	s9 =	simm.s32 $0x0;
	[dreg:$0x8] =	wrdreg s25  }
0x19: {  	s24 =	simm.s32 $0x2100;
	s25 =	simm.s32 $0x1;
	s0 =	simm.s32 $0x4  }
.LBB2_6:
0x1a: {  	[tilespmem:s24], [sflag:$0x1] =	stream.indirect.gather [hbm4b:s5+s3], $0x80, s20, s3, $0xb8;
	[tilespmem:$0x1E100] =	vst v63  }
0x1b: {  	_ =	swait.ge [sflag:s25], $0x800  }
0x1c: {  	[sflag:s25] =	ssyncset.done $0x0  }
0x1d: {  	[sflag:s25] =	ssyncadd.s32 $0xFFFFF800  }
0x1e: {  	[spmem:s2] =	stream.indirect.scatter.add.f32 [tilespmem:s24], [sflag:$0x5], $0x80, s21, s3, $0xb8;
	[tilespmem:$0x1E100] =	vst v63  }
0x1f: {  	_ =	swait.ge [sflag:s15], $0x800  }
0x20: {  	[sflag:s15] =	ssyncset.done $0x0  }
0x21: {  	[sflag:s15] =	ssyncadd.s32 $0xFFFFF800  }
0x22: {  	[bflag:$0x0] =	sbarrier.arrive $0xFFFF  }
0x23: {  	s10 =	rddreg [dreg:$0x7]  }
0x24: {  	[hbm:s10], [sflag:s8] =	dma.local [spmem:s14], $0x2800  }
0x25: {  	_ =	swait.ge [sflag:s15], $0x2800  }
0x26: {  	s9 =	sadd.s32 $0x1, s9;
	s16 =	rddreg [dreg:$0x8]  }
0x27: {  	p0 =	sne.s32 s9, s16  }
.Ltmp1:
0x28: {  	_ = 	snop;
	(pc) =	sbr.rel @!p0 .LBB2_7-.Ltmp1, $3  }
0x29: {  	_ =	sdelay $0x1  }
0x2a: {  	[sflag:s15] =	ssyncset.done $0x0  }
0x2b: {  	[sflag:s15] =	ssyncadd.s32 $0xFFFFD800  }
.LBB2_1:
0x2c: {  	[spmem:s14], [sflag:s8] =	dma.local [hbm:s7], $0x800  }
0x2d: {  	_ =	swait.ge [sflag:s15], $0x800  }
0x2e: {  	[sflag:s15] =	ssyncset.done $0x0  }
0x2f: {  	s10 =	rddreg [dreg:$0x9];
	[sflag:s15] =	ssyncadd.s32 $0xFFFFF800  }
0x30: {  	[spmem:s10], [sflag:s8] =	dma.local [hbm:s7], $0x800  }
0x31: {  	_ =	swait.ge [sflag:s15], $0x800  }
0x32: {  	[sflag:s15] =	ssyncset.done $0x0  }
0x33: {  	[sflag:s15] =	ssyncadd.s32 $0xFFFFF800  }
0x34: {  	[spmem:s17], [sflag:s8] =	dma.local [hbm:s7], $0x800  }
0x35: {  	_ =	swait.ge [sflag:s15], $0x800  }
0x36: {  	[sflag:s15] =	ssyncset.done $0x0  }
0x37: {  	[sflag:s15] =	ssyncadd.s32 $0xFFFFF800  }
0x38: {  	[spmem:s18], [sflag:s8] =	dma.local [hbm:s7], $0x800  }
0x39: {  	_ =	swait.ge [sflag:s15], $0x800  }
0x3a: {  	[sflag:s15] =	ssyncset.done $0x0  }
0x3b: {  	[sflag:s15] =	ssyncadd.s32 $0xFFFFF800  }
0x3c: {  	[spmem:s19], [sflag:s8] =	dma.local [hbm:s7], $0x800  }
0x3d: {  	_ =	swait.ge [sflag:s15], $0x800  }
0x3e: {  	[sflag:s15] =	ssyncset.done $0x0  }
0x3f: {  	s13 =	rddreg [dreg:$0x5];
	[sflag:s15] =	ssyncadd.s32 $0xFFFFF800  }
0x40: {  	[tilespmem:s20], [sflag:$0x5] =	stream.linear.gather [hbm4b:s13+s4], $0x80, $0x38;
	[tilespmem:$0x1E100] =	vst v63  }
0x41: {  	_ =	swait.ge [sflag:s15], $0x80  }
0x42: {  	[sflag:s15] =	ssyncset.done $0x0  }
0x43: {  	s16 =	rddreg [dreg:$0x6];
	[sflag:s15] =	ssyncadd.s32 $0xFFFFFF80  }
0x44: {  	[tilespmem:s21], [sflag:$0x5] =	stream.linear.gather [hbm4b:s16+s4], $0x80, $0x38;
	[tilespmem:$0x1E100] =	vst v63  }
.Ltmp2:
0x45: {  	_ =	swait.ge [sflag:s15], $0x80;
	(pc) =	sbr.rel .LBB2_2-.Ltmp2, $4  }
0x46: {  	[sflag:s15] =	ssyncset.done $0x0  }
0x47: {  	[sflag:s15] =	ssyncadd.s32 $0xFFFFFF80  }
0x48: {  	[bflag:$0x0] =	sbarrier.arrive $0xFFFF  }
0x49: {  	s10 =	simm.s32 $0x0  }
.LBB2_5:
0x4a: {  	s10 =	sadd.s32 $0x1, s10  }
0x4b: {  	p0 =	sne.s32 s10, $0x3  }
.Ltmp3:
0x4c: {  	_ = 	snop;
	(pc) =	sbr.rel @!p0 .LBB2_6-.Ltmp3, $4  }
0x4d: {  	[spmem:s2] =	stream.indirect.scatter.add.f32 [tilespmem:s26], [sflag:$0x4], $0x80, s16, s23, $0xb8;
	[tilespmem:$0x1E100] =	vst v63  }
0x4e: {  	_ =	swait.ge [sflag:s0], $0x4000  }
0x4f: {  	[sflag:s0] =	ssyncset.done $0x0  }
0x50: {  	[sflag:s0] =	ssyncadd.s32 $0xFFFFC000  }
.LBB2_2:
0x51: {  	s12 =	sshll.u32 s10, $0xC  }
0x52: {  	s12 =	sadd.s32 s11, s12  }
0x53: {  	s12 =	sshrl.u32 s12, $0x3  }
0x54: {  	s13 =	sadd.s32 s1, s12  }
0x55: {  	[tilespmem:s4], [sflag:$0x5] =	stream.linear.gather [hbm4b:s13+s4], $0xD00, $0x38;
	[tilespmem:$0x1E100] =	vst v63  }
0x56: {  	_ =	swait.ge [sflag:s15], $0xD00  }
0x57: {  	[sflag:s15] =	ssyncset.done $0x0  }
0x58: {  	s12 =	sadd.s32 s6, s12;
	[sflag:s15] =	ssyncadd.s32 $0xFFFFF300  }
0x59: {  	[tilespmem:s22], [sflag:$0x5] =	stream.linear.gather [hbm4b:s12+s4], $0xD00, $0x38;
	[tilespmem:$0x1E100] =	vst v63  }
0x5a: {  	_ =	swait.ge [sflag:s15], $0xD00  }
0x5b: {  	[sflag:s15] =	ssyncset.done $0x0  }
0x5c: {  	[sflag:s15] =	ssyncadd.s32 $0xFFFFF300  }
0x5d: {  	[tilespmem:s24], [sflag:$0x1] =	stream.indirect.gather [hbm4b:s5+s23], $0x80, s4, s23, $0xb8;
	[tilespmem:$0x1E100] =	vst v63  }
0x5e: {  	_ =	swait.ge [sflag:s25], $0x4000  }
0x5f: {  	[sflag:s25] =	ssyncset.done $0x0  }
0x60: {  	[sflag:s25] =	ssyncadd.s32 $0xFFFFC000  }
0x61: {  	[tilespmem:s26], [sflag:$0x2] =	stream.indirect.gather [hbm4b:s5+s23], $0x80, s23, s23, $0xb8;
	[tilespmem:$0x1E100] =	vst v63  }
0x62: {  	_ = 	snop  }
0x63: {  	[spmem:s2] =	stream.indirect.scatter.add.f32 [tilespmem:s24], [sflag:$0x3], $0x80, s22, s23, $0xb8;
	[tilespmem:$0x1E100] =	vst v63  }
0x64: {  	_ =	swait.ge [sflag:s28], $0x4000  }
0x65: {  	[sflag:s28] =	ssyncset.done $0x0  }
0x66: {  	[sflag:s28] =	ssyncadd.s32 $0xFFFFC000  }
0x67: {  	_ =	swait.ge [sflag:s29], $0x4000  }
0x68: {  	[sflag:s29] =	ssyncset.done $0x0  }
0x69: {  	[sflag:s29] =	ssyncadd.s32 $0xFFFFC000  }
0x6a: {  	[tilespmem:s24], [sflag:$0x1] =	stream.indirect.gather [hbm4b:s5+s23], $0x80, s30, s23, $0xb8;
	[tilespmem:$0x1E100] =	vst v63  }
0x6b: {  	s12 =	simm.s32 $0xFFFFD400  }
0x6c: {  	[spmem:s2] =	stream.indirect.scatter.add.f32 [tilespmem:s26], [sflag:$0x4], $0x80, s31, s23, $0xb8;
	[tilespmem:$0x1E100] =	vst v63  }
.LBB2_3:
0x6d: {  	_ =	swait.ge [sflag:s25], $0x4000  }
0x6e: {  	[sflag:s25] =	ssyncset.done $0x0  }
0x6f: {  	[sflag:s25] =	ssyncadd.s32 $0xFFFFC000  }
0x70: {  	_ =	swait.ge [sflag:s0], $0x4000  }
0x71: {  	s13 =	sshra.s32 s12, $0x2;
	[sflag:s0] =	ssyncset.done $0x0  }
0x72: {  	s16 =	sadd.s32 $0xC80, s13;
	[sflag:s0] =	ssyncadd.s32 $0xFFFFC000  }
0x73: {  	[tilespmem:s26], [sflag:$0x2] =	stream.indirect.gather [hbm4b:s5+s23], $0x80, s16, s23, $0xb8;
	[tilespmem:$0x1E100] =	vst v63  }
0x74: {  	s16 =	sadd.s32 $0x1C00, s13  }
0x75: {  	[spmem:s2] =	stream.indirect.scatter.add.f32 [tilespmem:s24], [sflag:$0x3], $0x80, s16, s23, $0xb8;
	[tilespmem:$0x1E100] =	vst v63  }
0x76: {  	p0 =	seq.s32 s12, $0x0;
	_ =	swait.ge [sflag:s28], $0x4000  }
.Ltmp4:
0x77: {  	[sflag:s28] =	ssyncset.done $0x0;
	(pc) =	sbr.rel @p0 .LBB2_5-.Ltmp4, $4  }
0x78: {  	[sflag:s28] =	ssyncadd.s32 $0xFFFFC000  }
0x79: {  	_ =	swait.ge [sflag:s29], $0x4000  }
0x7a: {  	[sflag:s29] =	ssyncset.done $0x0  }
0x7b: {  	s16 =	sadd.s32 $0x1C80, s13;
	[sflag:s29] =	ssyncadd.s32 $0xFFFFC000  }
.Ltmp5:
0x7c: {  	(pc) =	sbr.rel .LBB2_3-.Ltmp5, $4  }
0x7d: {  	s13 =	sadd.s32 $0xD00, s13  }
0x7e: {  	[tilespmem:s24], [sflag:$0x1] =	stream.indirect.gather [hbm4b:s5+s23], $0x80, s13, s23, $0xb8;
	[tilespmem:$0x1E100] =	vst v63  }
0x7f: {  	s12 =	sadd.s32 $0x400, s12  }
0x80: {  	[spmem:s2] =	stream.indirect.scatter.add.f32 [tilespmem:s26], [sflag:$0x4], $0x80, s16, s23, $0xb8;
	[tilespmem:$0x1E100] =	vst v63  }
.LBB2_7:
0x81: {  	_ =	sfence.sel $0x180000  }
0x82: {  	[bflag:$0x0] =	sbarrier.arrive $0xFFFF  }
0x83: {  	_ =	strace $0x9000004A  }
0x84: {  	s0 =	stileid.u32;
	[bflag:$0x2] =	sbarrier.arrive $0xFFFF  }
0x85: {  	p0 =	sne.s32 s0, $0x0;
	s0 =	rddreg [dreg:$0x4]  }
0x86: {  	s0 =	sadd.s32 @!p0 $0x100000, s0  }
0x87: {  	[sflag:s0] =	ssyncadd.tile.s32 @!p0 $0x1;
	_ =	shalt  }
.Lfunc_end2:
_tile_overlayer_lowered:
.L_overlay_start_2:
0x88: {  	(tag) =	ssettag $0x2  }
0x89: {  	s0 =	rddreg [dreg:$0x0];
	s2 =	stileid.u32  }
0x8a: {  	s1 =	rddreg [dreg:$0x1];
	p0 =	sne.s32 s2, $0x0  }
0x8b: {  	s3 =	rddreg [dreg:$0x2];
	[bflag:$0x3] =	sbarrier.arrive $0xFFFF;
	s2 =	simm.s32 @!p0 $0x1C05  }
0x8c: {  	[timem:s3], [sflag:s2] =	dma.local @!p0 [hbm:s0], s1  }
0x8d: {  	s0 =	simm.s32 @!p0 $0x5  }
0x8e: {  	_ =	swait.ge @!p0 [sflag:s0], s1  }
0x8f: {  	s1 =	ssub.s32 @!p0 $0x0, s1;
	[sflag:s0] =	ssyncset.done @!p0 $0x0  }
0x90: {  	[sflag:s0] =	ssyncadd.s32 @!p0 s1  }
0x91: {  	[bflag:$0x3] =	sbarrier.arrive $0xFFFF  }
0x92: {  	_ =	shalt  }

</sc_bundles>
